<compile_context>
chip_gen: v7x
topology: tpu7x:2x2x1
jax: 0.10.2.dev20260603
libtpu: 0.0.44.dev20260713+nightly
codegen_flags: <defaults>
</compile_context>

<pallas_src>
import functools

import jax
import jax.numpy as jnp
from jax import lax
from jax.experimental import pallas as pl
from jax.experimental.pallas import tpu as pltpu
from jax.experimental.pallas import tpu_sc as plsc

MAX_LEN = 8192
DIM = 1024

_info = plsc.get_sparse_core_info()
_NC, _NS, _L = _info.num_cores, _info.num_subcores, _info.num_lanes
_NW = _NC * _NS
_ROWS_PER_W = MAX_LEN // _NW
_CHUNK = 32
_NCHUNK = _ROWS_PER_W // _CHUNK
_NBUF = 3


def _pe_kernel(clamp_hbm, table_hbm, out_hbm, clamp_v, idx, buf, gsem, wsem):
    wid = lax.axis_index("c") * _NS + lax.axis_index("s")
    base = wid * _ROWS_PER_W

    _NPRE = min(_NBUF - 1, _NCHUNK)
    hpre = [pltpu.async_copy(table_hbm.at[pl.ds(base + b * _CHUNK, _CHUNK)],
                             buf[b], gsem[b]) for b in range(_NPRE)]

    pltpu.sync_copy(clamp_hbm, clamp_v)
    clamp_vec = clamp_v[...]
    iota = lax.iota(jnp.int32, _L)
    clamp_s = clamp_vec[0]

    def run_slab(start_gather, prefetched):
        def start_write(p, c):
            row0 = base + c * _CHUNK
            return pltpu.async_copy(buf[p], out_hbm.at[pl.ds(row0, _CHUNK)],
                                    wsem[p])

        gh = [None] * _NBUF
        wh = [None] * _NBUF
        for b in range(_NPRE):
            gh[b] = hpre[b] if prefetched else start_gather(b, b)
        for c in range(_NCHUNK):
            nxt = c + _NBUF - 1
            if nxt < _NCHUNK:
                q = nxt % _NBUF
                if wh[q] is not None:
                    wh[q].wait()
                    wh[q] = None
                gh[q] = start_gather(q, nxt)
            p = c % _NBUF
            gh[p].wait()
            wh[p] = start_write(p, c)
        for p in range(_NBUF):
            if wh[p] is not None:
                wh[p].wait()

    @pl.when(base + _ROWS_PER_W - 1 <= clamp_s)
    def _identity_slab():
        def start_linear(p, c):
            row0 = base + c * _CHUNK
            return pltpu.async_copy(table_hbm.at[pl.ds(row0, _CHUNK)],
                                    buf[p], gsem[p])

        run_slab(start_linear, prefetched=True)

    @pl.when(base + _ROWS_PER_W - 1 > clamp_s)
    def _clamped_slab():
        for h in hpre:
            h.wait()

        def start_indirect(p, c):
            row0 = base + c * _CHUNK
            for j in range(_CHUNK // _L):
                v = jnp.minimum(iota + (row0 + j * _L), clamp_vec)
                idx[p][pl.ds(j * _L, _L)] = jnp.bitwise_and(v, MAX_LEN - 1)
            return pltpu.async_copy(table_hbm.at[idx[p]], buf[p], gsem[p])

        run_slab(start_indirect, prefetched=False)


@functools.partial(
    pl.kernel,
    out_type=jax.ShapeDtypeStruct((MAX_LEN, DIM), jnp.float32),
    mesh=plsc.VectorSubcoreMesh(core_axis_name="c", subcore_axis_name="s"),
    scratch_types=(
        [pltpu.VMEM((_L,), jnp.int32)]
        + [pltpu.VMEM((_CHUNK,), jnp.int32) for _ in range(_NBUF)]
        + [pltpu.VMEM((_CHUNK, DIM), jnp.float32) for _ in range(_NBUF)]
        + [pltpu.SemaphoreType.DMA for _ in range(2 * _NBUF)]
    ),
)
def _pe_call(clamp_hbm, table_hbm, out_hbm, clamp_v, *scratch):
    idx = scratch[:_NBUF]
    buf = scratch[_NBUF:2 * _NBUF]
    gsem = scratch[2 * _NBUF:3 * _NBUF]
    wsem = scratch[3 * _NBUF:4 * _NBUF]
    _pe_kernel(clamp_hbm, table_hbm, out_hbm, clamp_v, idx, buf, gsem, wsem)


def kernel(seq_len, table):
    clamp = jnp.full((_L,), jnp.asarray(seq_len, jnp.int32) - 1, jnp.int32)
    return _pe_call(clamp, table)

# --- scband reference (transcript-rebuilt; emitter-appended) ---
"""Pipeline reference for scband-positional-embedding-90237262889725 (READ-ONLY COPY).

The authoritative reference and input builder live on the scoring server;
editing this copy changes nothing except your own understanding.
"""

import jax, jax.numpy as jnp
import numpy as np

MAX_LEN = 8192
DIM = 1024

def setup_inputs(seed: int = 0) -> dict:
    key = jax.random.key(seed)
    k_table, _ = jax.random.split(key)
    table = jax.random.normal(k_table, (MAX_LEN, DIM), dtype=jnp.float32)
    return {"seq_len": 8192, "table": table}

def reference(seq_len, table):
    # Faithful translation of PositionalEmbedding(kind='learnable').forward(seq_len):
    # idx = arange(seq_len); return embedding(idx)  -> row gather from the table.
    idx = jnp.arange(table.shape[0], dtype=jnp.int32)
    idx = jnp.minimum(idx, jnp.asarray(seq_len, dtype=jnp.int32) - 1)
    return jnp.take(table, idx, axis=0)

if __name__ == "__main__":
    import jax
    _d = setup_inputs()
    print(jax.jit(kernel)(*tuple(_d.values())))

</pallas_src>

<mosaic_0001>
#map = affine_map<(d0, d1) -> (0)>
#map1 = affine_map<(d0, d1) -> (0, 0)>
module attributes {stable_mosaic.version = 14 : i64} {
  func.func @_pe_call(%arg0: i32, %arg1: i32, %arg2: memref<16xi32, #tpu.memory_space<hbm>>, %arg3: memref<8192x1024xf32, #tpu.memory_space<hbm>>, %arg4: memref<8192x1024xf32, #tpu.memory_space<hbm>>, %arg5: memref<16xi32, #tpu.memory_space<vmem>>, %arg6: memref<32xi32, #tpu.memory_space<vmem>>, %arg7: memref<32xi32, #tpu.memory_space<vmem>>, %arg8: memref<32xi32, #tpu.memory_space<vmem>>, %arg9: memref<32x1024xf32, #tpu.memory_space<vmem>>, %arg10: memref<32x1024xf32, #tpu.memory_space<vmem>>, %arg11: memref<32x1024xf32, #tpu.memory_space<vmem>>, %arg12: memref<!tpu.dma_semaphore, #tpu.memory_space<semaphore_mem>>, %arg13: memref<!tpu.dma_semaphore, #tpu.memory_space<semaphore_mem>>, %arg14: memref<!tpu.dma_semaphore, #tpu.memory_space<semaphore_mem>>, %arg15: memref<!tpu.dma_semaphore, #tpu.memory_space<semaphore_mem>>, %arg16: memref<!tpu.dma_semaphore, #tpu.memory_space<semaphore_mem>>, %arg17: memref<!tpu.dma_semaphore, #tpu.memory_space<semaphore_mem>>) attributes {dimension_semantics = [#tpu.dimension_semantics<core_parallel>, #tpu.dimension_semantics<subcore_parallel>], iteration_bounds = array<i64: 2, 16>, scalar_prefetch = 0 : i64, scratch_operands = 13 : i64, tpu.core_type = #tpu.core_type<sc_vector_subcore>, window_params = [{transform_indices = #map}, {transform_indices = #map1}, {transform_indices = #map1}]} {
    %mul3A = arith.constant 16 : i32
    %mul3A_0 = arith.muli %arg0, %mul3A : i32
    %add3A = arith.addi %mul3A_0, %arg1 : i32
    %mul3A_1 = arith.constant 256 : i32
    %mul3A_2 = arith.muli %add3A, %mul3A_1 : i32
    %add3A_3 = arith.constant 0 : i32
    %add3A_4 = arith.addi %mul3A_2, %add3A_3 : i32
    %dma_start3A = arith.constant 0 : i32
    %dma_start3A_5 = tpu.memref_slice %arg3[%add3A_4, %dma_start3A] : memref<8192x1024xf32, #tpu.memory_space<hbm>> -> memref<32x1024xf32, #tpu.memory_space<hbm>>
    %dma_start3A_6 = arith.constant 0 : i32
    %dma_start3A_7 = tpu.memref_slice %arg3[%add3A_4, %dma_start3A_6] : memref<8192x1024xf32, #tpu.memory_space<hbm>> -> memref<32x1024xf32, #tpu.memory_space<hbm>>
    tpu.enqueue_dma source(%dma_start3A_7 : memref<32x1024xf32, #tpu.memory_space<hbm>>) target(%arg9 : memref<32x1024xf32, #tpu.memory_space<vmem>>) target_semaphore(%arg12 : memref<!tpu.dma_semaphore, #tpu.memory_space<semaphore_mem>>)
    %add3A_8 = arith.constant 32 : i32
    %add3A_9 = arith.addi %mul3A_2, %add3A_8 : i32
    %dma_start3A_10 = arith.constant 0 : i32
    %dma_start3A_11 = tpu.memref_slice %arg3[%add3A_9, %dma_start3A_10] : memref<8192x1024xf32, #tpu.memory_space<hbm>> -> memref<32x1024xf32, #tpu.memory_space<hbm>>
    %dma_start3A_12 = arith.constant 0 : i32
    %dma_start3A_13 = tpu.memref_slice %arg3[%add3A_9, %dma_start3A_12] : memref<8192x1024xf32, #tpu.memory_space<hbm>> -> memref<32x1024xf32, #tpu.memory_space<hbm>>
    tpu.enqueue_dma source(%dma_start3A_13 : memref<32x1024xf32, #tpu.memory_space<hbm>>) target(%arg10 : memref<32x1024xf32, #tpu.memory_space<vmem>>) target_semaphore(%arg13 : memref<!tpu.dma_semaphore, #tpu.memory_space<semaphore_mem>>)
    "tpu.region"() ({
      %run_scoped3A = tpu.sem_alloc : memref<!tpu.dma_semaphore, #tpu.memory_space<semaphore_mem>>
      tpu.enqueue_dma source(%arg2 : memref<16xi32, #tpu.memory_space<hbm>>) target(%arg5 : memref<16xi32, #tpu.memory_space<vmem>>) target_semaphore(%run_scoped3A : memref<!tpu.dma_semaphore, #tpu.memory_space<semaphore_mem>>)
      tpu.wait_dma2 semaphore(%run_scoped3A : memref<!tpu.dma_semaphore, #tpu.memory_space<semaphore_mem>>) src(%arg2 : memref<16xi32, #tpu.memory_space<hbm>>) dst(%arg5 : memref<16xi32, #tpu.memory_space<vmem>>)
      tpu.yield
    }) : () -> ()
    %get3A = arith.constant 0 : index
    %get3A_14 = tpu.vector_load %arg5[%get3A] {strides = array<i32>} : memref<16xi32, #tpu.memory_space<vmem>>, vector<16xi32>,
    %get3A_15 = vector.shape_cast %get3A_14 : vector<16xi32> to vector<16xi32>
    %iota3A = tpu.iota {dimensions = array<i32: 0>} : vector<16xi32>
    %slice3A = vector.extract_strided_slice %get3A_15 {offsets = [0], sizes = [1], strides = [1]} : vector<16xi32> to vector<1xi32>
    %squeeze3A = vector.extract %slice3A[0] : i32 from vector<1xi32>
    %add3A_16 = arith.constant 256 : i32
    %add3A_17 = arith.addi %mul3A_2, %add3A_16 : i32
    %sub3A = arith.constant 1 : i32
    %sub3A_18 = arith.subi %add3A_17, %sub3A : i32
    %le3A = arith.cmpi sle, %sub3A_18, %squeeze3A : i32
    %convert_element_type3A = arith.extui %le3A : i1 to i32
    %cond3A = arith.constant 0 : i32
    %cond3A_19 = arith.cmpi ne, %convert_element_type3A, %cond3A : i32
    scf.if %cond3A_19 {
      %add3A_27 = arith.constant 64 : i32
      %add3A_28 = arith.addi %mul3A_2, %add3A_27 : i32
      %dma_start3A_29 = arith.constant 0 : i32
      %dma_start3A_30 = tpu.memref_slice %arg3[%add3A_28, %dma_start3A_29] : memref<8192x1024xf32, #tpu.memory_space<hbm>> -> memref<32x1024xf32, #tpu.memory_space<hbm>>
      %dma_start3A_31 = arith.constant 0 : i32
      %dma_start3A_32 = tpu.memref_slice %arg3[%add3A_28, %dma_start3A_31] : memref<8192x1024xf32, #tpu.memory_space<hbm>> -> memref<32x1024xf32, #tpu.memory_space<hbm>>
      tpu.enqueue_dma source(%dma_start3A_32 : memref<32x1024xf32, #tpu.memory_space<hbm>>) target(%arg11 : memref<32x1024xf32, #tpu.memory_space<vmem>>) target_semaphore(%arg14 : memref<!tpu.dma_semaphore, #tpu.memory_space<semaphore_mem>>)
      %dma_wait3A = arith.constant 0 : i32
      %dma_wait3A_33 = tpu.memref_slice %arg3[%add3A_4, %dma_wait3A] : memref<8192x1024xf32, #tpu.memory_space<hbm>> -> memref<32x1024xf32, #tpu.memory_space<hbm>>
      %dma_wait3A_34 = arith.constant 0 : i32
      %dma_wait3A_35 = tpu.memref_slice %arg3[%add3A_4, %dma_wait3A_34] : memref<8192x1024xf32, #tpu.memory_space<hbm>> -> memref<32x1024xf32, #tpu.memory_space<hbm>>
      tpu.wait_dma2 semaphore(%arg12 : memref<!tpu.dma_semaphore, #tpu.memory_space<semaphore_mem>>) src(%dma_wait3A_35 : memref<32x1024xf32, #tpu.memory_space<hbm>>) dst(%arg9 : memref<32x1024xf32, #tpu.memory_space<vmem>>)
      %add3A_36 = arith.constant 0 : i32
      %add3A_37 = arith.addi %mul3A_2, %add3A_36 : i32
      %dma_start3A_38 = arith.constant 0 : i32
      %dma_start3A_39 = tpu.memref_slice %arg4[%add3A_37, %dma_start3A_38] : memref<8192x1024xf32, #tpu.memory_space<hbm>> -> memref<32x1024xf32, #tpu.memory_space<hbm>>
      %dma_start3A_40 = arith.constant 0 : i32
      %dma_start3A_41 = tpu.memref_slice %arg4[%add3A_37, %dma_start3A_40] : memref<8192x1024xf32, #tpu.memory_space<hbm>> -> memref<32x1024xf32, #tpu.memory_space<hbm>>
      tpu.enqueue_dma source(%arg9 : memref<32x1024xf32, #tpu.memory_space<vmem>>) target(%dma_start3A_41 : memref<32x1024xf32, #tpu.memory_space<hbm>>) target_semaphore(%arg15 : memref<!tpu.dma_semaphore, #tpu.memory_space<semaphore_mem>>)
      %dma_wait3A_42 = arith.constant 0 : i32
      %dma_wait3A_43 = tpu.memref_slice %arg4[%add3A_37, %dma_wait3A_42] : memref<8192x1024xf32, #tpu.memory_space<hbm>> -> memref<32x1024xf32, #tpu.memory_space<hbm>>
      %dma_wait3A_44 = arith.constant 0 : i32
      %dma_wait3A_45 = tpu.memref_slice %arg4[%add3A_37, %dma_wait3A_44] : memref<8192x1024xf32, #tpu.memory_space<hbm>> -> memref<32x1024xf32, #tpu.memory_space<hbm>>
      tpu.wait_dma2 semaphore(%arg15 : memref<!tpu.dma_semaphore, #tpu.memory_space<semaphore_mem>>) src(%arg9 : memref<32x1024xf32, #tpu.memory_space<vmem>>) dst(%dma_wait3A_45 : memref<32x1024xf32, #tpu.memory_space<hbm>>)
      %add3A_46 = arith.constant 96 : i32
      %add3A_47 = arith.addi %mul3A_2, %add3A_46 : i32
      %dma_start3A_48 = arith.constant 0 : i32
      %dma_start3A_49 = tpu.memref_slice %arg3[%add3A_47, %dma_start3A_48] : memref<8192x1024xf32, #tpu.memory_space<hbm>> -> memref<32x1024xf32, #tpu.memory_space<hbm>>
      %dma_start3A_50 = arith.constant 0 : i32
      %dma_start3A_51 = tpu.memref_slice %arg3[%add3A_47, %dma_start3A_50] : memref<8192x1024xf32, #tpu.memory_space<hbm>> -> memref<32x1024xf32, #tpu.memory_space<hbm>>
      tpu.enqueue_dma source(%dma_start3A_51 : memref<32x1024xf32, #tpu.memory_space<hbm>>) target(%arg9 : memref<32x1024xf32, #tpu.memory_space<vmem>>) target_semaphore(%arg12 : memref<!tpu.dma_semaphore, #tpu.memory_space<semaphore_mem>>)
      %dma_wait3A_52 = arith.constant 0 : i32
      %dma_wait3A_53 = tpu.memref_slice %arg3[%add3A_9, %dma_wait3A_52] : memref<8192x1024xf32, #tpu.memory_space<hbm>> -> memref<32x1024xf32, #tpu.memory_space<hbm>>
      %dma_wait3A_54 = arith.constant 0 : i32
      %dma_wait3A_55 = tpu.memref_slice %arg3[%add3A_9, %dma_wait3A_54] : memref<8192x1024xf32, #tpu.memory_space<hbm>> -> memref<32x1024xf32, #tpu.memory_space<hbm>>
      tpu.wait_dma2 semaphore(%arg13 : memref<!tpu.dma_semaphore, #tpu.memory_space<semaphore_mem>>) src(%dma_wait3A_55 : memref<32x1024xf32, #tpu.memory_space<hbm>>) dst(%arg10 : memref<32x1024xf32, #tpu.memory_space<vmem>>)
      %add3A_56 = arith.constant 32 : i32
      %add3A_57 = arith.addi %mul3A_2, %add3A_56 : i32
      %dma_start3A_58 = arith.constant 0 : i32
      %dma_start3A_59 = tpu.memref_slice %arg4[%add3A_57, %dma_start3A_58] : memref<8192x1024xf32, #tpu.memory_space<hbm>> -> memref<32x1024xf32, #tpu.memory_space<hbm>>
      %dma_start3A_60 = arith.constant 0 : i32
      %dma_start3A_61 = tpu.memref_slice %arg4[%add3A_57, %dma_start3A_60] : memref<8192x1024xf32, #tpu.memory_space<hbm>> -> memref<32x1024xf32, #tpu.memory_space<hbm>>
      tpu.enqueue_dma source(%arg10 : memref<32x1024xf32, #tpu.memory_space<vmem>>) target(%dma_start3A_61 : memref<32x1024xf32, #tpu.memory_space<hbm>>) target_semaphore(%arg16 : memref<!tpu.dma_semaphore, #tpu.memory_space<semaphore_mem>>)
      %dma_wait3A_62 = arith.constant 0 : i32
      %dma_wait3A_63 = tpu.memref_slice %arg4[%add3A_57, %dma_wait3A_62] : memref<8192x1024xf32, #tpu.memory_space<hbm>> -> memref<32x1024xf32, #tpu.memory_space<hbm>>
      %dma_wait3A_64 = arith.constant 0 : i32
      %dma_wait3A_65 = tpu.memref_slice %arg4[%add3A_57, %dma_wait3A_64] : memref<8192x1024xf32, #tpu.memory_space<hbm>> -> memref<32x1024xf32, #tpu.memory_space<hbm>>
      tpu.wait_dma2 semaphore(%arg16 : memref<!tpu.dma_semaphore, #tpu.memory_space<semaphore_mem>>) src(%arg10 : memref<32x1024xf32, #tpu.memory_space<vmem>>) dst(%dma_wait3A_65 : memref<32x1024xf32, #tpu.memory_space<hbm>>)
      %add3A_66 = arith.constant 128 : i32
      %add3A_67 = arith.addi %mul3A_2, %add3A_66 : i32
      %dma_start3A_68 = arith.constant 0 : i32
      %dma_start3A_69 = tpu.memref_slice %arg3[%add3A_67, %dma_start3A_68] : memref<8192x1024xf32, #tpu.memory_space<hbm>> -> memref<32x1024xf32, #tpu.memory_space<hbm>>
      %dma_start3A_70 = arith.constant 0 : i32
      %dma_start3A_71 = tpu.memref_slice %arg3[%add3A_67, %dma_start3A_70] : memref<8192x1024xf32, #tpu.memory_space<hbm>> -> memref<32x1024xf32, #tpu.memory_space<hbm>>
      tpu.enqueue_dma source(%dma_start3A_71 : memref<32x1024xf32, #tpu.memory_space<hbm>>) target(%arg10 : memref<32x1024xf32, #tpu.memory_space<vmem>>) target_semaphore(%arg13 : memref<!tpu.dma_semaphore, #tpu.memory_space<semaphore_mem>>)
      %dma_wait3A_72 = arith.constant 0 : i32
      %dma_wait3A_73 = tpu.memref_slice %arg3[%add3A_28, %dma_wait3A_72] : memref<8192x1024xf32, #tpu.memory_space<hbm>> -> memref<32x1024xf32, #tpu.memory_space<hbm>>
      %dma_wait3A_74 = arith.constant 0 : i32
      %dma_wait3A_75 = tpu.memref_slice %arg3[%add3A_28, %dma_wait3A_74] : memref<8192x1024xf32, #tpu.memory_space<hbm>> -> memref<32x1024xf32, #tpu.memory_space<hbm>>
      tpu.wait_dma2 semaphore(%arg14 : memref<!tpu.dma_semaphore, #tpu.memory_space<semaphore_mem>>) src(%dma_wait3A_75 : memref<32x1024xf32, #tpu.memory_space<hbm>>) dst(%arg11 : memref<32x1024xf32, #tpu.memory_space<vmem>>)
      %add3A_76 = arith.constant 64 : i32
      %add3A_77 = arith.addi %mul3A_2, %add3A_76 : i32
      %dma_start3A_78 = arith.constant 0 : i32
      %dma_start3A_79 = tpu.memref_slice %arg4[%add3A_77, %dma_start3A_78] : memref<8192x1024xf32, #tpu.memory_space<hbm>> -> memref<32x1024xf32, #tpu.memory_space<hbm>>
      %dma_start3A_80 = arith.constant 0 : i32
      %dma_start3A_81 = tpu.memref_slice %arg4[%add3A_77, %dma_start3A_80] : memref<8192x1024xf32, #tpu.memory_space<hbm>> -> memref<32x1024xf32, #tpu.memory_space<hbm>>
      tpu.enqueue_dma source(%arg11 : memref<32x1024xf32, #tpu.memory_space<vmem>>) target(%dma_start3A_81 : memref<32x1024xf32, #tpu.memory_space<hbm>>) target_semaphore(%arg17 : memref<!tpu.dma_semaphore, #tpu.memory_space<semaphore_mem>>)
      %dma_wait3A_82 = arith.constant 0 : i32
      %dma_wait3A_83 = tpu.memref_slice %arg4[%add3A_77, %dma_wait3A_82] : memref<8192x1024xf32, #tpu.memory_space<hbm>> -> memref<32x1024xf32, #tpu.memory_space<hbm>>
      %dma_wait3A_84 = arith.constant 0 : i32
      %dma_wait3A_85 = tpu.memref_slice %arg4[%add3A_77, %dma_wait3A_84] : memref<8192x1024xf32, #tpu.memory_space<hbm>> -> memref<32x1024xf32, #tpu.memory_space<hbm>>
      tpu.wait_dma2 semaphore(%arg17 : memref<!tpu.dma_semaphore, #tpu.memory_space<semaphore_mem>>) src(%arg11 : memref<32x1024xf32, #tpu.memory_space<vmem>>) dst(%dma_wait3A_85 : memref<32x1024xf32, #tpu.memory_space<hbm>>)
      %add3A_86 = arith.constant 160 : i32
      %add3A_87 = arith.addi %mul3A_2, %add3A_86 : i32
      %dma_start3A_88 = arith.constant 0 : i32
      %dma_start3A_89 = tpu.memref_slice %arg3[%add3A_87, %dma_start3A_88] : memref<8192x1024xf32, #tpu.memory_space<hbm>> -> memref<32x1024xf32, #tpu.memory_space<hbm>>
      %dma_start3A_90 = arith.constant 0 : i32
      %dma_start3A_91 = tpu.memref_slice %arg3[%add3A_87, %dma_start3A_90] : memref<8192x1024xf32, #tpu.memory_space<hbm>> -> memref<32x1024xf32, #tpu.memory_space<hbm>>
      tpu.enqueue_dma source(%dma_start3A_91 : memref<32x1024xf32, #tpu.memory_space<hbm>>) target(%arg11 : memref<32x1024xf32, #tpu.memory_space<vmem>>) target_semaphore(%arg14 : memref<!tpu.dma_semaphore, #tpu.memory_space<semaphore_mem>>)
      %dma_wait3A_92 = arith.constant 0 : i32
      %dma_wait3A_93 = tpu.memref_slice %arg3[%add3A_47, %dma_wait3A_92] : memref<8192x1024xf32, #tpu.memory_space<hbm>> -> memref<32x1024xf32, #tpu.memory_space<hbm>>
      %dma_wait3A_94 = arith.constant 0 : i32
      %dma_wait3A_95 = tpu.memref_slice %arg3[%add3A_47, %dma_wait3A_94] : memref<8192x1024xf32, #tpu.memory_space<hbm>> -> memref<32x1024xf32, #tpu.memory_space<hbm>>
      tpu.wait_dma2 semaphore(%arg12 : memref<!tpu.dma_semaphore, #tpu.memory_space<semaphore_mem>>) src(%dma_wait3A_95 : memref<32x1024xf32, #tpu.memory_space<hbm>>) dst(%arg9 : memref<32x1024xf32, #tpu.memory_space<vmem>>)
      %add3A_96 = arith.constant 96 : i32
      %add3A_97 = arith.addi %mul3A_2, %add3A_96 : i32
      %dma_start3A_98 = arith.constant 0 : i32
      %dma_start3A_99 = tpu.memref_slice %arg4[%add3A_97, %dma_start3A_98] : memref<8192x1024xf32, #tpu.memory_space<hbm>> -> memref<32x1024xf32, #tpu.memory_space<hbm>>
      %dma_start3A_100 = arith.constant 0 : i32
      %dma_start3A_101 = tpu.memref_slice %arg4[%add3A_97, %dma_start3A_100] : memref<8192x1024xf32, #tpu.memory_space<hbm>> -> memref<32x1024xf32, #tpu.memory_space<hbm>>
      tpu.enqueue_dma source(%arg9 : memref<32x1024xf32, #tpu.memory_space<vmem>>) target(%dma_start3A_101 : memref<32x1024xf32, #tpu.memory_space<hbm>>) target_semaphore(%arg15 : memref<!tpu.dma_semaphore, #tpu.memory_space<semaphore_mem>>)
      %dma_wait3A_102 = arith.constant 0 : i32
      %dma_wait3A_103 = tpu.memref_slice %arg4[%add3A_97, %dma_wait3A_102] : memref<8192x1024xf32, #tpu.memory_space<hbm>> -> memref<32x1024xf32, #tpu.memory_space<hbm>>
      %dma_wait3A_104 = arith.constant 0 : i32
      %dma_wait3A_105 = tpu.memref_slice %arg4[%add3A_97, %dma_wait3A_104] : memref<8192x1024xf32, #tpu.memory_space<hbm>> -> memref<32x1024xf32, #tpu.memory_space<hbm>>
      tpu.wait_dma2 semaphore(%arg15 : memref<!tpu.dma_semaphore, #tpu.memory_space<semaphore_mem>>) src(%arg9 : memref<32x1024xf32, #tpu.memory_space<vmem>>) dst(%dma_wait3A_105 : memref<32x1024xf32, #tpu.memory_space<hbm>>)
      %add3A_106 = arith.constant 192 : i32
      %add3A_107 = arith.addi %mul3A_2, %add3A_106 : i32
      %dma_start3A_108 = arith.constant 0 : i32
      %dma_start3A_109 = tpu.memref_slice %arg3[%add3A_107, %dma_start3A_108] : memref<8192x1024xf32, #tpu.memory_space<hbm>> -> memref<32x1024xf32, #tpu.memory_space<hbm>>
      %dma_start3A_110 = arith.constant 0 : i32
      %dma_start3A_111 = tpu.memref_slice %arg3[%add3A_107, %dma_start3A_110] : memref<8192x1024xf32, #tpu.memory_space<hbm>> -> memref<32x1024xf32, #tpu.memory_space<hbm>>
      tpu.enqueue_dma source(%dma_start3A_111 : memref<32x1024xf32, #tpu.memory_space<hbm>>) target(%arg9 : memref<32x1024xf32, #tpu.memory_space<vmem>>) target_semaphore(%arg12 : memref<!tpu.dma_semaphore, #tpu.memory_space<semaphore_mem>>)
      %dma_wait3A_112 = arith.constant 0 : i32
      %dma_wait3A_113 = tpu.memref_slice %arg3[%add3A_67, %dma_wait3A_112] : memref<8192x1024xf32, #tpu.memory_space<hbm>> -> memref<32x1024xf32, #tpu.memory_space<hbm>>
      %dma_wait3A_114 = arith.constant 0 : i32
      %dma_wait3A_115 = tpu.memref_slice %arg3[%add3A_67, %dma_wait3A_114] : memref<8192x1024xf32, #tpu.memory_space<hbm>> -> memref<32x1024xf32, #tpu.memory_space<hbm>>
      tpu.wait_dma2 semaphore(%arg13 : memref<!tpu.dma_semaphore, #tpu.memory_space<semaphore_mem>>) src(%dma_wait3A_115 : memref<32x1024xf32, #tpu.memory_space<hbm>>) dst(%arg10 : memref<32x1024xf32, #tpu.memory_space<vmem>>)
      %add3A_116 = arith.constant 128 : i32
      %add3A_117 = arith.addi %mul3A_2, %add3A_116 : i32
      %dma_start3A_118 = arith.constant 0 : i32
      %dma_start3A_119 = tpu.memref_slice %arg4[%add3A_117, %dma_start3A_118] : memref<8192x1024xf32, #tpu.memory_space<hbm>> -> memref<32x1024xf32, #tpu.memory_space<hbm>>
      %dma_start3A_120 = arith.constant 0 : i32
      %dma_start3A_121 = tpu.memref_slice %arg4[%add3A_117, %dma_start3A_120] : memref<8192x1024xf32, #tpu.memory_space<hbm>> -> memref<32x1024xf32, #tpu.memory_space<hbm>>
      tpu.enqueue_dma source(%arg10 : memref<32x1024xf32, #tpu.memory_space<vmem>>) target(%dma_start3A_121 : memref<32x1024xf32, #tpu.memory_space<hbm>>) target_semaphore(%arg16 : memref<!tpu.dma_semaphore, #tpu.memory_space<semaphore_mem>>)
      %dma_wait3A_122 = arith.constant 0 : i32
      %dma_wait3A_123 = tpu.memref_slice %arg4[%add3A_117, %dma_wait3A_122] : memref<8192x1024xf32, #tpu.memory_space<hbm>> -> memref<32x1024xf32, #tpu.memory_space<hbm>>
      %dma_wait3A_124 = arith.constant 0 : i32
      %dma_wait3A_125 = tpu.memref_slice %arg4[%add3A_117, %dma_wait3A_124] : memref<8192x1024xf32, #tpu.memory_space<hbm>> -> memref<32x1024xf32, #tpu.memory_space<hbm>>
      tpu.wait_dma2 semaphore(%arg16 : memref<!tpu.dma_semaphore, #tpu.memory_space<semaphore_mem>>) src(%arg10 : memref<32x1024xf32, #tpu.memory_space<vmem>>) dst(%dma_wait3A_125 : memref<32x1024xf32, #tpu.memory_space<hbm>>)
      %add3A_126 = arith.constant 224 : i32
      %add3A_127 = arith.addi %mul3A_2, %add3A_126 : i32
      %dma_start3A_128 = arith.constant 0 : i32
      %dma_start3A_129 = tpu.memref_slice %arg3[%add3A_127, %dma_start3A_128] : memref<8192x1024xf32, #tpu.memory_space<hbm>> -> memref<32x1024xf32, #tpu.memory_space<hbm>>
      %dma_start3A_130 = arith.constant 0 : i32
      %dma_start3A_131 = tpu.memref_slice %arg3[%add3A_127, %dma_start3A_130] : memref<8192x1024xf32, #tpu.memory_space<hbm>> -> memref<32x1024xf32, #tpu.memory_space<hbm>>
      tpu.enqueue_dma source(%dma_start3A_131 : memref<32x1024xf32, #tpu.memory_space<hbm>>) target(%arg10 : memref<32x1024xf32, #tpu.memory_space<vmem>>) target_semaphore(%arg13 : memref<!tpu.dma_semaphore, #tpu.memory_space<semaphore_mem>>)
      %dma_wait3A_132 = arith.constant 0 : i32
      %dma_wait3A_133 = tpu.memref_slice %arg3[%add3A_87, %dma_wait3A_132] : memref<8192x1024xf32, #tpu.memory_space<hbm>> -> memref<32x1024xf32, #tpu.memory_space<hbm>>
      %dma_wait3A_134 = arith.constant 0 : i32
      %dma_wait3A_135 = tpu.memref_slice %arg3[%add3A_87, %dma_wait3A_134] : memref<8192x1024xf32, #tpu.memory_space<hbm>> -> memref<32x1024xf32, #tpu.memory_space<hbm>>
      tpu.wait_dma2 semaphore(%arg14 : memref<!tpu.dma_semaphore, #tpu.memory_space<semaphore_mem>>) src(%dma_wait3A_135 : memref<32x1024xf32, #tpu.memory_space<hbm>>) dst(%arg11 : memref<32x1024xf32, #tpu.memory_space<vmem>>)
      %add3A_136 = arith.constant 160 : i32
      %add3A_137 = arith.addi %mul3A_2, %add3A_136 : i32
      %dma_start3A_138 = arith.constant 0 : i32
      %dma_start3A_139 = tpu.memref_slice %arg4[%add3A_137, %dma_start3A_138] : memref<8192x1024xf32, #tpu.memory_space<hbm>> -> memref<32x1024xf32, #tpu.memory_space<hbm>>
      %dma_start3A_140 = arith.constant 0 : i32
      %dma_start3A_141 = tpu.memref_slice %arg4[%add3A_137, %dma_start3A_140] : memref<8192x1024xf32, #tpu.memory_space<hbm>> -> memref<32x1024xf32, #tpu.memory_space<hbm>>
      tpu.enqueue_dma source(%arg11 : memref<32x1024xf32, #tpu.memory_space<vmem>>) target(%dma_start3A_141 : memref<32x1024xf32, #tpu.memory_space<hbm>>) target_semaphore(%arg17 : memref<!tpu.dma_semaphore, #tpu.memory_space<semaphore_mem>>)
      %dma_wait3A_142 = arith.constant 0 : i32
      %dma_wait3A_143 = tpu.memref_slice %arg3[%add3A_107, %dma_wait3A_142] : memref<8192x1024xf32, #tpu.memory_space<hbm>> -> memref<32x1024xf32, #tpu.memory_space<hbm>>
      %dma_wait3A_144 = arith.constant 0 : i32
      %dma_wait3A_145 = tpu.memref_slice %arg3[%add3A_107, %dma_wait3A_144] : memref<8192x1024xf32, #tpu.memory_space<hbm>> -> memref<32x1024xf32, #tpu.memory_space<hbm>>
      tpu.wait_dma2 semaphore(%arg12 : memref<!tpu.dma_semaphore, #tpu.memory_space<semaphore_mem>>) src(%dma_wait3A_145 : memref<32x1024xf32, #tpu.memory_space<hbm>>) dst(%arg9 : memref<32x1024xf32, #tpu.memory_space<vmem>>)
      %add3A_146 = arith.constant 192 : i32
      %add3A_147 = arith.addi %mul3A_2, %add3A_146 : i32
      %dma_start3A_148 = arith.constant 0 : i32
      %dma_start3A_149 = tpu.memref_slice %arg4[%add3A_147, %dma_start3A_148] : memref<8192x1024xf32, #tpu.memory_space<hbm>> -> memref<32x1024xf32, #tpu.memory_space<hbm>>
      %dma_start3A_150 = arith.constant 0 : i32
      %dma_start3A_151 = tpu.memref_slice %arg4[%add3A_147, %dma_start3A_150] : memref<8192x1024xf32, #tpu.memory_space<hbm>> -> memref<32x1024xf32, #tpu.memory_space<hbm>>
      tpu.enqueue_dma source(%arg9 : memref<32x1024xf32, #tpu.memory_space<vmem>>) target(%dma_start3A_151 : memref<32x1024xf32, #tpu.memory_space<hbm>>) target_semaphore(%arg15 : memref<!tpu.dma_semaphore, #tpu.memory_space<semaphore_mem>>)
      %dma_wait3A_152 = arith.constant 0 : i32
      %dma_wait3A_153 = tpu.memref_slice %arg3[%add3A_127, %dma_wait3A_152] : memref<8192x1024xf32, #tpu.memory_space<hbm>> -> memref<32x1024xf32, #tpu.memory_space<hbm>>
      %dma_wait3A_154 = arith.constant 0 : i32
      %dma_wait3A_155 = tpu.memref_slice %arg3[%add3A_127, %dma_wait3A_154] : memref<8192x1024xf32, #tpu.memory_space<hbm>> -> memref<32x1024xf32, #tpu.memory_space<hbm>>
      tpu.wait_dma2 semaphore(%arg13 : memref<!tpu.dma_semaphore, #tpu.memory_space<semaphore_mem>>) src(%dma_wait3A_155 : memref<32x1024xf32, #tpu.memory_space<hbm>>) dst(%arg10 : memref<32x1024xf32, #tpu.memory_space<vmem>>)
      %add3A_156 = arith.constant 224 : i32
      %add3A_157 = arith.addi %mul3A_2, %add3A_156 : i32
      %dma_start3A_158 = arith.constant 0 : i32
      %dma_start3A_159 = tpu.memref_slice %arg4[%add3A_157, %dma_start3A_158] : memref<8192x1024xf32, #tpu.memory_space<hbm>> -> memref<32x1024xf32, #tpu.memory_space<hbm>>
      %dma_start3A_160 = arith.constant 0 : i32
      %dma_start3A_161 = tpu.memref_slice %arg4[%add3A_157, %dma_start3A_160] : memref<8192x1024xf32, #tpu.memory_space<hbm>> -> memref<32x1024xf32, #tpu.memory_space<hbm>>
      tpu.enqueue_dma source(%arg10 : memref<32x1024xf32, #tpu.memory_space<vmem>>) target(%dma_start3A_161 : memref<32x1024xf32, #tpu.memory_space<hbm>>) target_semaphore(%arg16 : memref<!tpu.dma_semaphore, #tpu.memory_space<semaphore_mem>>)
      %dma_wait3A_162 = arith.constant 0 : i32
      %dma_wait3A_163 = tpu.memref_slice %arg4[%add3A_147, %dma_wait3A_162] : memref<8192x1024xf32, #tpu.memory_space<hbm>> -> memref<32x1024xf32, #tpu.memory_space<hbm>>
      %dma_wait3A_164 = arith.constant 0 : i32
      %dma_wait3A_165 = tpu.memref_slice %arg4[%add3A_147, %dma_wait3A_164] : memref<8192x1024xf32, #tpu.memory_space<hbm>> -> memref<32x1024xf32, #tpu.memory_space<hbm>>
      tpu.wait_dma2 semaphore(%arg15 : memref<!tpu.dma_semaphore, #tpu.memory_space<semaphore_mem>>) src(%arg9 : memref<32x1024xf32, #tpu.memory_space<vmem>>) dst(%dma_wait3A_165 : memref<32x1024xf32, #tpu.memory_space<hbm>>)
      %dma_wait3A_166 = arith.constant 0 : i32
      %dma_wait3A_167 = tpu.memref_slice %arg4[%add3A_157, %dma_wait3A_166] : memref<8192x1024xf32, #tpu.memory_space<hbm>> -> memref<32x1024xf32, #tpu.memory_space<hbm>>
      %dma_wait3A_168 = arith.constant 0 : i32
      %dma_wait3A_169 = tpu.memref_slice %arg4[%add3A_157, %dma_wait3A_168] : memref<8192x1024xf32, #tpu.memory_space<hbm>> -> memref<32x1024xf32, #tpu.memory_space<hbm>>
      tpu.wait_dma2 semaphore(%arg16 : memref<!tpu.dma_semaphore, #tpu.memory_space<semaphore_mem>>) src(%arg10 : memref<32x1024xf32, #tpu.memory_space<vmem>>) dst(%dma_wait3A_169 : memref<32x1024xf32, #tpu.memory_space<hbm>>)
      %dma_wait3A_170 = arith.constant 0 : i32
      %dma_wait3A_171 = tpu.memref_slice %arg4[%add3A_137, %dma_wait3A_170] : memref<8192x1024xf32, #tpu.memory_space<hbm>> -> memref<32x1024xf32, #tpu.memory_space<hbm>>
      %dma_wait3A_172 = arith.constant 0 : i32
      %dma_wait3A_173 = tpu.memref_slice %arg4[%add3A_137, %dma_wait3A_172] : memref<8192x1024xf32, #tpu.memory_space<hbm>> -> memref<32x1024xf32, #tpu.memory_space<hbm>>
      tpu.wait_dma2 semaphore(%arg17 : memref<!tpu.dma_semaphore, #tpu.memory_space<semaphore_mem>>) src(%arg11 : memref<32x1024xf32, #tpu.memory_space<vmem>>) dst(%dma_wait3A_173 : memref<32x1024xf32, #tpu.memory_space<hbm>>)
    } else {
    }
    %add3A_20 = arith.constant 256 : i32
    %add3A_21 = arith.addi %mul3A_2, %add3A_20 : i32
    %sub3A_22 = arith.constant 1 : i32
    %sub3A_23 = arith.subi %add3A_21, %sub3A_22 : i32
    %gt3A = arith.cmpi sgt, %sub3A_23, %squeeze3A : i32
    %convert_element_type3A_24 = arith.extui %gt3A : i1 to i32
    %cond3A_25 = arith.constant 0 : i32
    %cond3A_26 = arith.cmpi ne, %convert_element_type3A_24, %cond3A_25 : i32
    scf.if %cond3A_26 {
      %dma_wait3A = arith.constant 0 : i32
      %dma_wait3A_27 = tpu.memref_slice %arg3[%add3A_4, %dma_wait3A] : memref<8192x1024xf32, #tpu.memory_space<hbm>> -> memref<32x1024xf32, #tpu.memory_space<hbm>>
      %dma_wait3A_28 = arith.constant 0 : i32
      %dma_wait3A_29 = tpu.memref_slice %arg3[%add3A_4, %dma_wait3A_28] : memref<8192x1024xf32, #tpu.memory_space<hbm>> -> memref<32x1024xf32, #tpu.memory_space<hbm>>
      tpu.wait_dma2 semaphore(%arg12 : memref<!tpu.dma_semaphore, #tpu.memory_space<semaphore_mem>>) src(%dma_wait3A_29 : memref<32x1024xf32, #tpu.memory_space<hbm>>) dst(%arg9 : memref<32x1024xf32, #tpu.memory_space<vmem>>)
      %dma_wait3A_30 = arith.constant 0 : i32
      %dma_wait3A_31 = tpu.memref_slice %arg3[%add3A_9, %dma_wait3A_30] : memref<8192x1024xf32, #tpu.memory_space<hbm>> -> memref<32x1024xf32, #tpu.memory_space<hbm>>
      %dma_wait3A_32 = arith.constant 0 : i32
      %dma_wait3A_33 = tpu.memref_slice %arg3[%add3A_9, %dma_wait3A_32] : memref<8192x1024xf32, #tpu.memory_space<hbm>> -> memref<32x1024xf32, #tpu.memory_space<hbm>>
      tpu.wait_dma2 semaphore(%arg13 : memref<!tpu.dma_semaphore, #tpu.memory_space<semaphore_mem>>) src(%dma_wait3A_33 : memref<32x1024xf32, #tpu.memory_space<hbm>>) dst(%arg10 : memref<32x1024xf32, #tpu.memory_space<vmem>>)
      %add3A_34 = arith.constant 0 : i32
      %add3A_35 = arith.addi %mul3A_2, %add3A_34 : i32
      %add3A_36 = arith.constant 0 : i32
      %add3A_37 = arith.addi %add3A_35, %add3A_36 : i32
      %add3A_38 = vector.broadcast %add3A_37 : i32 to vector<16xi32>
      %add3A_39 = arith.addi %iota3A, %add3A_38 : vector<16xi32>
      %min3A = arith.minsi %add3A_39, %get3A_15 : vector<16xi32>
      %and3A = arith.constant 8191 : i32
      %and3A_40 = vector.broadcast %and3A : i32 to vector<16xi32>
      %and3A_41 = arith.andi %min3A, %and3A_40 : vector<16xi32>
      %swap3A = arith.constant 0 : index
      %swap3A_42 = tpu.vector_load %arg6[%swap3A] {strides = array<i32>} : memref<32xi32, #tpu.memory_space<vmem>>, vector<16xi32>,
      %swap3A_43 = vector.shape_cast %swap3A_42 : vector<16xi32> to vector<16xi32>
      %swap3A_44 = vector.shape_cast %and3A_41 : vector<16xi32> to vector<16xi32>
      tpu.vector_store %arg6[%swap3A], %swap3A_44 {strides = array<i32>} : memref<32xi32, #tpu.memory_space<vmem>>, vector<16xi32>,
      %add3A_45 = arith.constant 16 : i32
      %add3A_46 = arith.addi %add3A_35, %add3A_45 : i32
      %add3A_47 = vector.broadcast %add3A_46 : i32 to vector<16xi32>
      %add3A_48 = arith.addi %iota3A, %add3A_47 : vector<16xi32>
      %min3A_49 = arith.minsi %add3A_48, %get3A_15 : vector<16xi32>
      %and3A_50 = arith.constant 8191 : i32
      %and3A_51 = vector.broadcast %and3A_50 : i32 to vector<16xi32>
      %and3A_52 = arith.andi %min3A_49, %and3A_51 : vector<16xi32>
      %swap3A_53 = arith.constant 16 : index
      %swap3A_54 = tpu.vector_load %arg6[%swap3A_53] {strides = array<i32>} : memref<32xi32, #tpu.memory_space<vmem>>, vector<16xi32>,
      %swap3A_55 = vector.shape_cast %swap3A_54 : vector<16xi32> to vector<16xi32>
      %swap3A_56 = vector.shape_cast %and3A_52 : vector<16xi32> to vector<16xi32>
      tpu.vector_store %arg6[%swap3A_53], %swap3A_56 {strides = array<i32>} : memref<32xi32, #tpu.memory_space<vmem>>, vector<16xi32>,
      %dma_start3A_57 = arith.constant 0 : i32
      %dma_start3A_58 = arith.constant 0 : i32
      %dma_start3A_59 = tpu.memref_slice %arg3[%dma_start3A_57, %dma_start3A_58] : memref<8192x1024xf32, #tpu.memory_space<hbm>> -> memref<8192x1024xf32, #tpu.memory_space<hbm>>
      tpu.enqueue_indirect_dma source(%dma_start3A_59 : memref<8192x1024xf32, #tpu.memory_space<hbm>>) target(%arg9 : memref<32x1024xf32, #tpu.memory_space<vmem>>) offsets(%arg6 : memref<32xi32, #tpu.memory_space<vmem>>) semaphore(%arg12 : memref<!tpu.dma_semaphore, #tpu.memory_space<semaphore_mem>>)
      %add3A_60 = arith.constant 32 : i32
      %add3A_61 = arith.addi %mul3A_2, %add3A_60 : i32
      %add3A_62 = arith.constant 0 : i32
      %add3A_63 = arith.addi %add3A_61, %add3A_62 : i32
      %add3A_64 = vector.broadcast %add3A_63 : i32 to vector<16xi32>
      %add3A_65 = arith.addi %iota3A, %add3A_64 : vector<16xi32>
      %min3A_66 = arith.minsi %add3A_65, %get3A_15 : vector<16xi32>
      %and3A_67 = arith.constant 8191 : i32
      %and3A_68 = vector.broadcast %and3A_67 : i32 to vector<16xi32>
      %and3A_69 = arith.andi %min3A_66, %and3A_68 : vector<16xi32>
      %swap3A_70 = arith.constant 0 : index
      %swap3A_71 = tpu.vector_load %arg7[%swap3A_70] {strides = array<i32>} : memref<32xi32, #tpu.memory_space<vmem>>, vector<16xi32>,
      %swap3A_72 = vector.shape_cast %swap3A_71 : vector<16xi32> to vector<16xi32>
      %swap3A_73 = vector.shape_cast %and3A_69 : vector<16xi32> to vector<16xi32>
      tpu.vector_store %arg7[%swap3A_70], %swap3A_73 {strides = array<i32>} : memref<32xi32, #tpu.memory_space<vmem>>, vector<16xi32>,
      %add3A_74 = arith.constant 16 : i32
      %add3A_75 = arith.addi %add3A_61, %add3A_74 : i32
      %add3A_76 = vector.broadcast %add3A_75 : i32 to vector<16xi32>
      %add3A_77 = arith.addi %iota3A, %add3A_76 : vector<16xi32>
      %min3A_78 = arith.minsi %add3A_77, %get3A_15 : vector<16xi32>
      %and3A_79 = arith.constant 8191 : i32
      %and3A_80 = vector.broadcast %and3A_79 : i32 to vector<16xi32>
      %and3A_81 = arith.andi %min3A_78, %and3A_80 : vector<16xi32>
      %swap3A_82 = arith.constant 16 : index
      %swap3A_83 = tpu.vector_load %arg7[%swap3A_82] {strides = array<i32>} : memref<32xi32, #tpu.memory_space<vmem>>, vector<16xi32>,
      %swap3A_84 = vector.shape_cast %swap3A_83 : vector<16xi32> to vector<16xi32>
      %swap3A_85 = vector.shape_cast %and3A_81 : vector<16xi32> to vector<16xi32>
      tpu.vector_store %arg7[%swap3A_82], %swap3A_85 {strides = array<i32>} : memref<32xi32, #tpu.memory_space<vmem>>, vector<16xi32>,
      %dma_start3A_86 = arith.constant 0 : i32
      %dma_start3A_87 = arith.constant 0 : i32
      %dma_start3A_88 = tpu.memref_slice %arg3[%dma_start3A_86, %dma_start3A_87] : memref<8192x1024xf32, #tpu.memory_space<hbm>> -> memref<8192x1024xf32, #tpu.memory_space<hbm>>
      tpu.enqueue_indirect_dma source(%dma_start3A_88 : memref<8192x1024xf32, #tpu.memory_space<hbm>>) target(%arg10 : memref<32x1024xf32, #tpu.memory_space<vmem>>) offsets(%arg7 : memref<32xi32, #tpu.memory_space<vmem>>) semaphore(%arg13 : memref<!tpu.dma_semaphore, #tpu.memory_space<semaphore_mem>>)
      %add3A_89 = arith.constant 64 : i32
      %add3A_90 = arith.addi %mul3A_2, %add3A_89 : i32
      %add3A_91 = arith.constant 0 : i32
      %add3A_92 = arith.addi %add3A_90, %add3A_91 : i32
      %add3A_93 = vector.broadcast %add3A_92 : i32 to vector<16xi32>
      %add3A_94 = arith.addi %iota3A, %add3A_93 : vector<16xi32>
      %min3A_95 = arith.minsi %add3A_94, %get3A_15 : vector<16xi32>
      %and3A_96 = arith.constant 8191 : i32
      %and3A_97 = vector.broadcast %and3A_96 : i32 to vector<16xi32>
      %and3A_98 = arith.andi %min3A_95, %and3A_97 : vector<16xi32>
      %swap3A_99 = arith.constant 0 : index
      %swap3A_100 = tpu.vector_load %arg8[%swap3A_99] {strides = array<i32>} : memref<32xi32, #tpu.memory_space<vmem>>, vector<16xi32>,
      %swap3A_101 = vector.shape_cast %swap3A_100 : vector<16xi32> to vector<16xi32>
      %swap3A_102 = vector.shape_cast %and3A_98 : vector<16xi32> to vector<16xi32>
      tpu.vector_store %arg8[%swap3A_99], %swap3A_102 {strides = array<i32>} : memref<32xi32, #tpu.memory_space<vmem>>, vector<16xi32>,
      %add3A_103 = arith.constant 16 : i32
      %add3A_104 = arith.addi %add3A_90, %add3A_103 : i32
      %add3A_105 = vector.broadcast %add3A_104 : i32 to vector<16xi32>
      %add3A_106 = arith.addi %iota3A, %add3A_105 : vector<16xi32>
      %min3A_107 = arith.minsi %add3A_106, %get3A_15 : vector<16xi32>
      %and3A_108 = arith.constant 8191 : i32
      %and3A_109 = vector.broadcast %and3A_108 : i32 to vector<16xi32>
      %and3A_110 = arith.andi %min3A_107, %and3A_109 : vector<16xi32>
      %swap3A_111 = arith.constant 16 : index
      %swap3A_112 = tpu.vector_load %arg8[%swap3A_111] {strides = array<i32>} : memref<32xi32, #tpu.memory_space<vmem>>, vector<16xi32>,
      %swap3A_113 = vector.shape_cast %swap3A_112 : vector<16xi32> to vector<16xi32>
      %swap3A_114 = vector.shape_cast %and3A_110 : vector<16xi32> to vector<16xi32>
      tpu.vector_store %arg8[%swap3A_111], %swap3A_114 {strides = array<i32>} : memref<32xi32, #tpu.memory_space<vmem>>, vector<16xi32>,
      %dma_start3A_115 = arith.constant 0 : i32
      %dma_start3A_116 = arith.constant 0 : i32
      %dma_start3A_117 = tpu.memref_slice %arg3[%dma_start3A_115, %dma_start3A_116] : memref<8192x1024xf32, #tpu.memory_space<hbm>> -> memref<8192x1024xf32, #tpu.memory_space<hbm>>
      tpu.enqueue_indirect_dma source(%dma_start3A_117 : memref<8192x1024xf32, #tpu.memory_space<hbm>>) target(%arg11 : memref<32x1024xf32, #tpu.memory_space<vmem>>) offsets(%arg8 : memref<32xi32, #tpu.memory_space<vmem>>) semaphore(%arg14 : memref<!tpu.dma_semaphore, #tpu.memory_space<semaphore_mem>>)
      %dma_wait3A_118 = arith.constant 0 : i32
      %dma_wait3A_119 = arith.constant 0 : i32
      %dma_wait3A_120 = tpu.memref_slice %arg3[%dma_wait3A_118, %dma_wait3A_119] : memref<8192x1024xf32, #tpu.memory_space<hbm>> -> memref<8192x1024xf32, #tpu.memory_space<hbm>>
      tpu.wait_indirect_dma semaphore(%arg12 : memref<!tpu.dma_semaphore, #tpu.memory_space<semaphore_mem>>) src(%dma_wait3A_120 : memref<8192x1024xf32, #tpu.memory_space<hbm>>) dst(%arg9 : memref<32x1024xf32, #tpu.memory_space<vmem>>)
      %add3A_121 = arith.constant 0 : i32
      %add3A_122 = arith.addi %mul3A_2, %add3A_121 : i32
      %dma_start3A_123 = arith.constant 0 : i32
      %dma_start3A_124 = tpu.memref_slice %arg4[%add3A_122, %dma_start3A_123] : memref<8192x1024xf32, #tpu.memory_space<hbm>> -> memref<32x1024xf32, #tpu.memory_space<hbm>>
      %dma_start3A_125 = arith.constant 0 : i32
      %dma_start3A_126 = tpu.memref_slice %arg4[%add3A_122, %dma_start3A_125] : memref<8192x1024xf32, #tpu.memory_space<hbm>> -> memref<32x1024xf32, #tpu.memory_space<hbm>>
      tpu.enqueue_dma source(%arg9 : memref<32x1024xf32, #tpu.memory_space<vmem>>) target(%dma_start3A_126 : memref<32x1024xf32, #tpu.memory_space<hbm>>) target_semaphore(%arg15 : memref<!tpu.dma_semaphore, #tpu.memory_space<semaphore_mem>>)
      %dma_wait3A_127 = arith.constant 0 : i32
      %dma_wait3A_128 = tpu.memref_slice %arg4[%add3A_122, %dma_wait3A_127] : memref<8192x1024xf32, #tpu.memory_space<hbm>> -> memref<32x1024xf32, #tpu.memory_space<hbm>>
      %dma_wait3A_129 = arith.constant 0 : i32
      %dma_wait3A_130 = tpu.memref_slice %arg4[%add3A_122, %dma_wait3A_129] : memref<8192x1024xf32, #tpu.memory_space<hbm>> -> memref<32x1024xf32, #tpu.memory_space<hbm>>
      tpu.wait_dma2 semaphore(%arg15 : memref<!tpu.dma_semaphore, #tpu.memory_space<semaphore_mem>>) src(%arg9 : memref<32x1024xf32, #tpu.memory_space<vmem>>) dst(%dma_wait3A_130 : memref<32x1024xf32, #tpu.memory_space<hbm>>)
      %add3A_131 = arith.constant 96 : i32
      %add3A_132 = arith.addi %mul3A_2, %add3A_131 : i32
      %add3A_133 = arith.constant 0 : i32
      %add3A_134 = arith.addi %add3A_132, %add3A_133 : i32
      %add3A_135 = vector.broadcast %add3A_134 : i32 to vector<16xi32>
      %add3A_136 = arith.addi %iota3A, %add3A_135 : vector<16xi32>
      %min3A_137 = arith.minsi %add3A_136, %get3A_15 : vector<16xi32>
      %and3A_138 = arith.constant 8191 : i32
      %and3A_139 = vector.broadcast %and3A_138 : i32 to vector<16xi32>
      %and3A_140 = arith.andi %min3A_137, %and3A_139 : vector<16xi32>
      %swap3A_141 = arith.constant 0 : index
      %swap3A_142 = tpu.vector_load %arg6[%swap3A_141] {strides = array<i32>} : memref<32xi32, #tpu.memory_space<vmem>>, vector<16xi32>,
      %swap3A_143 = vector.shape_cast %swap3A_142 : vector<16xi32> to vector<16xi32>
      %swap3A_144 = vector.shape_cast %and3A_140 : vector<16xi32> to vector<16xi32>
      tpu.vector_store %arg6[%swap3A_141], %swap3A_144 {strides = array<i32>} : memref<32xi32, #tpu.memory_space<vmem>>, vector<16xi32>,
      %add3A_145 = arith.constant 16 : i32
      %add3A_146 = arith.addi %add3A_132, %add3A_145 : i32
      %add3A_147 = vector.broadcast %add3A_146 : i32 to vector<16xi32>
      %add3A_148 = arith.addi %iota3A, %add3A_147 : vector<16xi32>
      %min3A_149 = arith.minsi %add3A_148, %get3A_15 : vector<16xi32>
      %and3A_150 = arith.constant 8191 : i32
      %and3A_151 = vector.broadcast %and3A_150 : i32 to vector<16xi32>
      %and3A_152 = arith.andi %min3A_149, %and3A_151 : vector<16xi32>
      %swap3A_153 = arith.constant 16 : index
      %swap3A_154 = tpu.vector_load %arg6[%swap3A_153] {strides = array<i32>} : memref<32xi32, #tpu.memory_space<vmem>>, vector<16xi32>,
      %swap3A_155 = vector.shape_cast %swap3A_154 : vector<16xi32> to vector<16xi32>
      %swap3A_156 = vector.shape_cast %and3A_152 : vector<16xi32> to vector<16xi32>
      tpu.vector_store %arg6[%swap3A_153], %swap3A_156 {strides = array<i32>} : memref<32xi32, #tpu.memory_space<vmem>>, vector<16xi32>,
      %dma_start3A_157 = arith.constant 0 : i32
      %dma_start3A_158 = arith.constant 0 : i32
      %dma_start3A_159 = tpu.memref_slice %arg3[%dma_start3A_157, %dma_start3A_158] : memref<8192x1024xf32, #tpu.memory_space<hbm>> -> memref<8192x1024xf32, #tpu.memory_space<hbm>>
      tpu.enqueue_indirect_dma source(%dma_start3A_159 : memref<8192x1024xf32, #tpu.memory_space<hbm>>) target(%arg9 : memref<32x1024xf32, #tpu.memory_space<vmem>>) offsets(%arg6 : memref<32xi32, #tpu.memory_space<vmem>>) semaphore(%arg12 : memref<!tpu.dma_semaphore, #tpu.memory_space<semaphore_mem>>)
      %dma_wait3A_160 = arith.constant 0 : i32
      %dma_wait3A_161 = arith.constant 0 : i32
      %dma_wait3A_162 = tpu.memref_slice %arg3[%dma_wait3A_160, %dma_wait3A_161] : memref<8192x1024xf32, #tpu.memory_space<hbm>> -> memref<8192x1024xf32, #tpu.memory_space<hbm>>
      tpu.wait_indirect_dma semaphore(%arg13 : memref<!tpu.dma_semaphore, #tpu.memory_space<semaphore_mem>>) src(%dma_wait3A_162 : memref<8192x1024xf32, #tpu.memory_space<hbm>>) dst(%arg10 : memref<32x1024xf32, #tpu.memory_space<vmem>>)
      %add3A_163 = arith.constant 32 : i32
      %add3A_164 = arith.addi %mul3A_2, %add3A_163 : i32
      %dma_start3A_165 = arith.constant 0 : i32
      %dma_start3A_166 = tpu.memref_slice %arg4[%add3A_164, %dma_start3A_165] : memref<8192x1024xf32, #tpu.memory_space<hbm>> -> memref<32x1024xf32, #tpu.memory_space<hbm>>
      %dma_start3A_167 = arith.constant 0 : i32
      %dma_start3A_168 = tpu.memref_slice %arg4[%add3A_164, %dma_start3A_167] : memref<8192x1024xf32, #tpu.memory_space<hbm>> -> memref<32x1024xf32, #tpu.memory_space<hbm>>
      tpu.enqueue_dma source(%arg10 : memref<32x1024xf32, #tpu.memory_space<vmem>>) target(%dma_start3A_168 : memref<32x1024xf32, #tpu.memory_space<hbm>>) target_semaphore(%arg16 : memref<!tpu.dma_semaphore, #tpu.memory_space<semaphore_mem>>)
      %dma_wait3A_169 = arith.constant 0 : i32
      %dma_wait3A_170 = tpu.memref_slice %arg4[%add3A_164, %dma_wait3A_169] : memref<8192x1024xf32, #tpu.memory_space<hbm>> -> memref<32x1024xf32, #tpu.memory_space<hbm>>
      %dma_wait3A_171 = arith.constant 0 : i32
      %dma_wait3A_172 = tpu.memref_slice %arg4[%add3A_164, %dma_wait3A_171] : memref<8192x1024xf32, #tpu.memory_space<hbm>> -> memref<32x1024xf32, #tpu.memory_space<hbm>>
      tpu.wait_dma2 semaphore(%arg16 : memref<!tpu.dma_semaphore, #tpu.memory_space<semaphore_mem>>) src(%arg10 : memref<32x1024xf32, #tpu.memory_space<vmem>>) dst(%dma_wait3A_172 : memref<32x1024xf32, #tpu.memory_space<hbm>>)
      %add3A_173 = arith.constant 128 : i32
      %add3A_174 = arith.addi %mul3A_2, %add3A_173 : i32
      %add3A_175 = arith.constant 0 : i32
      %add3A_176 = arith.addi %add3A_174, %add3A_175 : i32
      %add3A_177 = vector.broadcast %add3A_176 : i32 to vector<16xi32>
      %add3A_178 = arith.addi %iota3A, %add3A_177 : vector<16xi32>
      %min3A_179 = arith.minsi %add3A_178, %get3A_15 : vector<16xi32>
      %and3A_180 = arith.constant 8191 : i32
      %and3A_181 = vector.broadcast %and3A_180 : i32 to vector<16xi32>
      %and3A_182 = arith.andi %min3A_179, %and3A_181 : vector<16xi32>
      %swap3A_183 = arith.constant 0 : index
      %swap3A_184 = tpu.vector_load %arg7[%swap3A_183] {strides = array<i32>} : memref<32xi32, #tpu.memory_space<vmem>>, vector<16xi32>,
      %swap3A_185 = vector.shape_cast %swap3A_184 : vector<16xi32> to vector<16xi32>
      %swap3A_186 = vector.shape_cast %and3A_182 : vector<16xi32> to vector<16xi32>
      tpu.vector_store %arg7[%swap3A_183], %swap3A_186 {strides = array<i32>} : memref<32xi32, #tpu.memory_space<vmem>>, vector<16xi32>,
      %add3A_187 = arith.constant 16 : i32
      %add3A_188 = arith.addi %add3A_174, %add3A_187 : i32
      %add3A_189 = vector.broadcast %add3A_188 : i32 to vector<16xi32>
      %add3A_190 = arith.addi %iota3A, %add3A_189 : vector<16xi32>
      %min3A_191 = arith.minsi %add3A_190, %get3A_15 : vector<16xi32>
      %and3A_192 = arith.constant 8191 : i32
      %and3A_193 = vector.broadcast %and3A_192 : i32 to vector<16xi32>
      %and3A_194 = arith.andi %min3A_191, %and3A_193 : vector<16xi32>
      %swap3A_195 = arith.constant 16 : index
      %swap3A_196 = tpu.vector_load %arg7[%swap3A_195] {strides = array<i32>} : memref<32xi32, #tpu.memory_space<vmem>>, vector<16xi32>,
      %swap3A_197 = vector.shape_cast %swap3A_196 : vector<16xi32> to vector<16xi32>
      %swap3A_198 = vector.shape_cast %and3A_194 : vector<16xi32> to vector<16xi32>
      tpu.vector_store %arg7[%swap3A_195], %swap3A_198 {strides = array<i32>} : memref<32xi32, #tpu.memory_space<vmem>>, vector<16xi32>,
      %dma_start3A_199 = arith.constant 0 : i32
      %dma_start3A_200 = arith.constant 0 : i32
      %dma_start3A_201 = tpu.memref_slice %arg3[%dma_start3A_199, %dma_start3A_200] : memref<8192x1024xf32, #tpu.memory_space<hbm>> -> memref<8192x1024xf32, #tpu.memory_space<hbm>>
      tpu.enqueue_indirect_dma source(%dma_start3A_201 : memref<8192x1024xf32, #tpu.memory_space<hbm>>) target(%arg10 : memref<32x1024xf32, #tpu.memory_space<vmem>>) offsets(%arg7 : memref<32xi32, #tpu.memory_space<vmem>>) semaphore(%arg13 : memref<!tpu.dma_semaphore, #tpu.memory_space<semaphore_mem>>)
      %dma_wait3A_202 = arith.constant 0 : i32
      %dma_wait3A_203 = arith.constant 0 : i32
      %dma_wait3A_204 = tpu.memref_slice %arg3[%dma_wait3A_202, %dma_wait3A_203] : memref<8192x1024xf32, #tpu.memory_space<hbm>> -> memref<8192x1024xf32, #tpu.memory_space<hbm>>
      tpu.wait_indirect_dma semaphore(%arg14 : memref<!tpu.dma_semaphore, #tpu.memory_space<semaphore_mem>>) src(%dma_wait3A_204 : memref<8192x1024xf32, #tpu.memory_space<hbm>>) dst(%arg11 : memref<32x1024xf32, #tpu.memory_space<vmem>>)
      %add3A_205 = arith.constant 64 : i32
      %add3A_206 = arith.addi %mul3A_2, %add3A_205 : i32
      %dma_start3A_207 = arith.constant 0 : i32
      %dma_start3A_208 = tpu.memref_slice %arg4[%add3A_206, %dma_start3A_207] : memref<8192x1024xf32, #tpu.memory_space<hbm>> -> memref<32x1024xf32, #tpu.memory_space<hbm>>
      %dma_start3A_209 = arith.constant 0 : i32
      %dma_start3A_210 = tpu.memref_slice %arg4[%add3A_206, %dma_start3A_209] : memref<8192x1024xf32, #tpu.memory_space<hbm>> -> memref<32x1024xf32, #tpu.memory_space<hbm>>
      tpu.enqueue_dma source(%arg11 : memref<32x1024xf32, #tpu.memory_space<vmem>>) target(%dma_start3A_210 : memref<32x1024xf32, #tpu.memory_space<hbm>>) target_semaphore(%arg17 : memref<!tpu.dma_semaphore, #tpu.memory_space<semaphore_mem>>)
      %dma_wait3A_211 = arith.constant 0 : i32
      %dma_wait3A_212 = tpu.memref_slice %arg4[%add3A_206, %dma_wait3A_211] : memref<8192x1024xf32, #tpu.memory_space<hbm>> -> memref<32x1024xf32, #tpu.memory_space<hbm>>
      %dma_wait3A_213 = arith.constant 0 : i32
      %dma_wait3A_214 = tpu.memref_slice %arg4[%add3A_206, %dma_wait3A_213] : memref<8192x1024xf32, #tpu.memory_space<hbm>> -> memref<32x1024xf32, #tpu.memory_space<hbm>>
      tpu.wait_dma2 semaphore(%arg17 : memref<!tpu.dma_semaphore, #tpu.memory_space<semaphore_mem>>) src(%arg11 : memref<32x1024xf32, #tpu.memory_space<vmem>>) dst(%dma_wait3A_214 : memref<32x1024xf32, #tpu.memory_space<hbm>>)
      %add3A_215 = arith.constant 160 : i32
      %add3A_216 = arith.addi %mul3A_2, %add3A_215 : i32
      %add3A_217 = arith.constant 0 : i32
      %add3A_218 = arith.addi %add3A_216, %add3A_217 : i32
      %add3A_219 = vector.broadcast %add3A_218 : i32 to vector<16xi32>
      %add3A_220 = arith.addi %iota3A, %add3A_219 : vector<16xi32>
      %min3A_221 = arith.minsi %add3A_220, %get3A_15 : vector<16xi32>
      %and3A_222 = arith.constant 8191 : i32
      %and3A_223 = vector.broadcast %and3A_222 : i32 to vector<16xi32>
      %and3A_224 = arith.andi %min3A_221, %and3A_223 : vector<16xi32>
      %swap3A_225 = arith.constant 0 : index
      %swap3A_226 = tpu.vector_load %arg8[%swap3A_225] {strides = array<i32>} : memref<32xi32, #tpu.memory_space<vmem>>, vector<16xi32>,
      %swap3A_227 = vector.shape_cast %swap3A_226 : vector<16xi32> to vector<16xi32>
      %swap3A_228 = vector.shape_cast %and3A_224 : vector<16xi32> to vector<16xi32>
      tpu.vector_store %arg8[%swap3A_225], %swap3A_228 {strides = array<i32>} : memref<32xi32, #tpu.memory_space<vmem>>, vector<16xi32>,
      %add3A_229 = arith.constant 16 : i32
      %add3A_230 = arith.addi %add3A_216, %add3A_229 : i32
      %add3A_231 = vector.broadcast %add3A_230 : i32 to vector<16xi32>
      %add3A_232 = arith.addi %iota3A, %add3A_231 : vector<16xi32>
      %min3A_233 = arith.minsi %add3A_232, %get3A_15 : vector<16xi32>
      %and3A_234 = arith.constant 8191 : i32
      %and3A_235 = vector.broadcast %and3A_234 : i32 to vector<16xi32>
      %and3A_236 = arith.andi %min3A_233, %and3A_235 : vector<16xi32>
      %swap3A_237 = arith.constant 16 : index
      %swap3A_238 = tpu.vector_load %arg8[%swap3A_237] {strides = array<i32>} : memref<32xi32, #tpu.memory_space<vmem>>, vector<16xi32>,
      %swap3A_239 = vector.shape_cast %swap3A_238 : vector<16xi32> to vector<16xi32>
      %swap3A_240 = vector.shape_cast %and3A_236 : vector<16xi32> to vector<16xi32>
      tpu.vector_store %arg8[%swap3A_237], %swap3A_240 {strides = array<i32>} : memref<32xi32, #tpu.memory_space<vmem>>, vector<16xi32>,
      %dma_start3A_241 = arith.constant 0 : i32
      %dma_start3A_242 = arith.constant 0 : i32
      %dma_start3A_243 = tpu.memref_slice %arg3[%dma_start3A_241, %dma_start3A_242] : memref<8192x1024xf32, #tpu.memory_space<hbm>> -> memref<8192x1024xf32, #tpu.memory_space<hbm>>
      tpu.enqueue_indirect_dma source(%dma_start3A_243 : memref<8192x1024xf32, #tpu.memory_space<hbm>>) target(%arg11 : memref<32x1024xf32, #tpu.memory_space<vmem>>) offsets(%arg8 : memref<32xi32, #tpu.memory_space<vmem>>) semaphore(%arg14 : memref<!tpu.dma_semaphore, #tpu.memory_space<semaphore_mem>>)
      %dma_wait3A_244 = arith.constant 0 : i32
      %dma_wait3A_245 = arith.constant 0 : i32
      %dma_wait3A_246 = tpu.memref_slice %arg3[%dma_wait3A_244, %dma_wait3A_245] : memref<8192x1024xf32, #tpu.memory_space<hbm>> -> memref<8192x1024xf32, #tpu.memory_space<hbm>>
      tpu.wait_indirect_dma semaphore(%arg12 : memref<!tpu.dma_semaphore, #tpu.memory_space<semaphore_mem>>) src(%dma_wait3A_246 : memref<8192x1024xf32, #tpu.memory_space<hbm>>) dst(%arg9 : memref<32x1024xf32, #tpu.memory_space<vmem>>)
      %add3A_247 = arith.constant 96 : i32
      %add3A_248 = arith.addi %mul3A_2, %add3A_247 : i32
      %dma_start3A_249 = arith.constant 0 : i32
      %dma_start3A_250 = tpu.memref_slice %arg4[%add3A_248, %dma_start3A_249] : memref<8192x1024xf32, #tpu.memory_space<hbm>> -> memref<32x1024xf32, #tpu.memory_space<hbm>>
      %dma_start3A_251 = arith.constant 0 : i32
      %dma_start3A_252 = tpu.memref_slice %arg4[%add3A_248, %dma_start3A_251] : memref<8192x1024xf32, #tpu.memory_space<hbm>> -> memref<32x1024xf32, #tpu.memory_space<hbm>>
      tpu.enqueue_dma source(%arg9 : memref<32x1024xf32, #tpu.memory_space<vmem>>) target(%dma_start3A_252 : memref<32x1024xf32, #tpu.memory_space<hbm>>) target_semaphore(%arg15 : memref<!tpu.dma_semaphore, #tpu.memory_space<semaphore_mem>>)
      %dma_wait3A_253 = arith.constant 0 : i32
      %dma_wait3A_254 = tpu.memref_slice %arg4[%add3A_248, %dma_wait3A_253] : memref<8192x1024xf32, #tpu.memory_space<hbm>> -> memref<32x1024xf32, #tpu.memory_space<hbm>>
      %dma_wait3A_255 = arith.constant 0 : i32
      %dma_wait3A_256 = tpu.memref_slice %arg4[%add3A_248, %dma_wait3A_255] : memref<8192x1024xf32, #tpu.memory_space<hbm>> -> memref<32x1024xf32, #tpu.memory_space<hbm>>
      tpu.wait_dma2 semaphore(%arg15 : memref<!tpu.dma_semaphore, #tpu.memory_space<semaphore_mem>>) src(%arg9 : memref<32x1024xf32, #tpu.memory_space<vmem>>) dst(%dma_wait3A_256 : memref<32x1024xf32, #tpu.memory_space<hbm>>)
      %add3A_257 = arith.constant 192 : i32
      %add3A_258 = arith.addi %mul3A_2, %add3A_257 : i32
      %add3A_259 = arith.constant 0 : i32
      %add3A_260 = arith.addi %add3A_258, %add3A_259 : i32
      %add3A_261 = vector.broadcast %add3A_260 : i32 to vector<16xi32>
      %add3A_262 = arith.addi %iota3A, %add3A_261 : vector<16xi32>
      %min3A_263 = arith.minsi %add3A_262, %get3A_15 : vector<16xi32>
      %and3A_264 = arith.constant 8191 : i32
      %and3A_265 = vector.broadcast %and3A_264 : i32 to vector<16xi32>
      %and3A_266 = arith.andi %min3A_263, %and3A_265 : vector<16xi32>
      %swap3A_267 = arith.constant 0 : index
      %swap3A_268 = tpu.vector_load %arg6[%swap3A_267] {strides = array<i32>} : memref<32xi32, #tpu.memory_space<vmem>>, vector<16xi32>,
      %swap3A_269 = vector.shape_cast %swap3A_268 : vector<16xi32> to vector<16xi32>
      %swap3A_270 = vector.shape_cast %and3A_266 : vector<16xi32> to vector<16xi32>
      tpu.vector_store %arg6[%swap3A_267], %swap3A_270 {strides = array<i32>} : memref<32xi32, #tpu.memory_space<vmem>>, vector<16xi32>,
      %add3A_271 = arith.constant 16 : i32
      %add3A_272 = arith.addi %add3A_258, %add3A_271 : i32
      %add3A_273 = vector.broadcast %add3A_272 : i32 to vector<16xi32>
      %add3A_274 = arith.addi %iota3A, %add3A_273 : vector<16xi32>
      %min3A_275 = arith.minsi %add3A_274, %get3A_15 : vector<16xi32>
      %and3A_276 = arith.constant 8191 : i32
      %and3A_277 = vector.broadcast %and3A_276 : i32 to vector<16xi32>
      %and3A_278 = arith.andi %min3A_275, %and3A_277 : vector<16xi32>
      %swap3A_279 = arith.constant 16 : index
      %swap3A_280 = tpu.vector_load %arg6[%swap3A_279] {strides = array<i32>} : memref<32xi32, #tpu.memory_space<vmem>>, vector<16xi32>,
      %swap3A_281 = vector.shape_cast %swap3A_280 : vector<16xi32> to vector<16xi32>
      %swap3A_282 = vector.shape_cast %and3A_278 : vector<16xi32> to vector<16xi32>
      tpu.vector_store %arg6[%swap3A_279], %swap3A_282 {strides = array<i32>} : memref<32xi32, #tpu.memory_space<vmem>>, vector<16xi32>,
      %dma_start3A_283 = arith.constant 0 : i32
      %dma_start3A_284 = arith.constant 0 : i32
      %dma_start3A_285 = tpu.memref_slice %arg3[%dma_start3A_283, %dma_start3A_284] : memref<8192x1024xf32, #tpu.memory_space<hbm>> -> memref<8192x1024xf32, #tpu.memory_space<hbm>>
      tpu.enqueue_indirect_dma source(%dma_start3A_285 : memref<8192x1024xf32, #tpu.memory_space<hbm>>) target(%arg9 : memref<32x1024xf32, #tpu.memory_space<vmem>>) offsets(%arg6 : memref<32xi32, #tpu.memory_space<vmem>>) semaphore(%arg12 : memref<!tpu.dma_semaphore, #tpu.memory_space<semaphore_mem>>)
      %dma_wait3A_286 = arith.constant 0 : i32
      %dma_wait3A_287 = arith.constant 0 : i32
      %dma_wait3A_288 = tpu.memref_slice %arg3[%dma_wait3A_286, %dma_wait3A_287] : memref<8192x1024xf32, #tpu.memory_space<hbm>> -> memref<8192x1024xf32, #tpu.memory_space<hbm>>
      tpu.wait_indirect_dma semaphore(%arg13 : memref<!tpu.dma_semaphore, #tpu.memory_space<semaphore_mem>>) src(%dma_wait3A_288 : memref<8192x1024xf32, #tpu.memory_space<hbm>>) dst(%arg10 : memref<32x1024xf32, #tpu.memory_space<vmem>>)
      %add3A_289 = arith.constant 128 : i32
      %add3A_290 = arith.addi %mul3A_2, %add3A_289 : i32
      %dma_start3A_291 = arith.constant 0 : i32
      %dma_start3A_292 = tpu.memref_slice %arg4[%add3A_290, %dma_start3A_291] : memref<8192x1024xf32, #tpu.memory_space<hbm>> -> memref<32x1024xf32, #tpu.memory_space<hbm>>
      %dma_start3A_293 = arith.constant 0 : i32
      %dma_start3A_294 = tpu.memref_slice %arg4[%add3A_290, %dma_start3A_293] : memref<8192x1024xf32, #tpu.memory_space<hbm>> -> memref<32x1024xf32, #tpu.memory_space<hbm>>
      tpu.enqueue_dma source(%arg10 : memref<32x1024xf32, #tpu.memory_space<vmem>>) target(%dma_start3A_294 : memref<32x1024xf32, #tpu.memory_space<hbm>>) target_semaphore(%arg16 : memref<!tpu.dma_semaphore, #tpu.memory_space<semaphore_mem>>)
      %dma_wait3A_295 = arith.constant 0 : i32
      %dma_wait3A_296 = tpu.memref_slice %arg4[%add3A_290, %dma_wait3A_295] : memref<8192x1024xf32, #tpu.memory_space<hbm>> -> memref<32x1024xf32, #tpu.memory_space<hbm>>
      %dma_wait3A_297 = arith.constant 0 : i32
      %dma_wait3A_298 = tpu.memref_slice %arg4[%add3A_290, %dma_wait3A_297] : memref<8192x1024xf32, #tpu.memory_space<hbm>> -> memref<32x1024xf32, #tpu.memory_space<hbm>>
      tpu.wait_dma2 semaphore(%arg16 : memref<!tpu.dma_semaphore, #tpu.memory_space<semaphore_mem>>) src(%arg10 : memref<32x1024xf32, #tpu.memory_space<vmem>>) dst(%dma_wait3A_298 : memref<32x1024xf32, #tpu.memory_space<hbm>>)
      %add3A_299 = arith.constant 224 : i32
      %add3A_300 = arith.addi %mul3A_2, %add3A_299 : i32
      %add3A_301 = arith.constant 0 : i32
      %add3A_302 = arith.addi %add3A_300, %add3A_301 : i32
      %add3A_303 = vector.broadcast %add3A_302 : i32 to vector<16xi32>
      %add3A_304 = arith.addi %iota3A, %add3A_303 : vector<16xi32>
      %min3A_305 = arith.minsi %add3A_304, %get3A_15 : vector<16xi32>
      %and3A_306 = arith.constant 8191 : i32
      %and3A_307 = vector.broadcast %and3A_306 : i32 to vector<16xi32>
      %and3A_308 = arith.andi %min3A_305, %and3A_307 : vector<16xi32>
      %swap3A_309 = arith.constant 0 : index
      %swap3A_310 = tpu.vector_load %arg7[%swap3A_309] {strides = array<i32>} : memref<32xi32, #tpu.memory_space<vmem>>, vector<16xi32>,
      %swap3A_311 = vector.shape_cast %swap3A_310 : vector<16xi32> to vector<16xi32>
      %swap3A_312 = vector.shape_cast %and3A_308 : vector<16xi32> to vector<16xi32>
      tpu.vector_store %arg7[%swap3A_309], %swap3A_312 {strides = array<i32>} : memref<32xi32, #tpu.memory_space<vmem>>, vector<16xi32>,
      %add3A_313 = arith.constant 16 : i32
      %add3A_314 = arith.addi %add3A_300, %add3A_313 : i32
      %add3A_315 = vector.broadcast %add3A_314 : i32 to vector<16xi32>
      %add3A_316 = arith.addi %iota3A, %add3A_315 : vector<16xi32>
      %min3A_317 = arith.minsi %add3A_316, %get3A_15 : vector<16xi32>
      %and3A_318 = arith.constant 8191 : i32
      %and3A_319 = vector.broadcast %and3A_318 : i32 to vector<16xi32>
      %and3A_320 = arith.andi %min3A_317, %and3A_319 : vector<16xi32>
      %swap3A_321 = arith.constant 16 : index
      %swap3A_322 = tpu.vector_load %arg7[%swap3A_321] {strides = array<i32>} : memref<32xi32, #tpu.memory_space<vmem>>, vector<16xi32>,
      %swap3A_323 = vector.shape_cast %swap3A_322 : vector<16xi32> to vector<16xi32>
      %swap3A_324 = vector.shape_cast %and3A_320 : vector<16xi32> to vector<16xi32>
      tpu.vector_store %arg7[%swap3A_321], %swap3A_324 {strides = array<i32>} : memref<32xi32, #tpu.memory_space<vmem>>, vector<16xi32>,
      %dma_start3A_325 = arith.constant 0 : i32
      %dma_start3A_326 = arith.constant 0 : i32
      %dma_start3A_327 = tpu.memref_slice %arg3[%dma_start3A_325, %dma_start3A_326] : memref<8192x1024xf32, #tpu.memory_space<hbm>> -> memref<8192x1024xf32, #tpu.memory_space<hbm>>
      tpu.enqueue_indirect_dma source(%dma_start3A_327 : memref<8192x1024xf32, #tpu.memory_space<hbm>>) target(%arg10 : memref<32x1024xf32, #tpu.memory_space<vmem>>) offsets(%arg7 : memref<32xi32, #tpu.memory_space<vmem>>) semaphore(%arg13 : memref<!tpu.dma_semaphore, #tpu.memory_space<semaphore_mem>>)
      %dma_wait3A_328 = arith.constant 0 : i32
      %dma_wait3A_329 = arith.constant 0 : i32
      %dma_wait3A_330 = tpu.memref_slice %arg3[%dma_wait3A_328, %dma_wait3A_329] : memref<8192x1024xf32, #tpu.memory_space<hbm>> -> memref<8192x1024xf32, #tpu.memory_space<hbm>>
      tpu.wait_indirect_dma semaphore(%arg14 : memref<!tpu.dma_semaphore, #tpu.memory_space<semaphore_mem>>) src(%dma_wait3A_330 : memref<8192x1024xf32, #tpu.memory_space<hbm>>) dst(%arg11 : memref<32x1024xf32, #tpu.memory_space<vmem>>)
      %add3A_331 = arith.constant 160 : i32
      %add3A_332 = arith.addi %mul3A_2, %add3A_331 : i32
      %dma_start3A_333 = arith.constant 0 : i32
      %dma_start3A_334 = tpu.memref_slice %arg4[%add3A_332, %dma_start3A_333] : memref<8192x1024xf32, #tpu.memory_space<hbm>> -> memref<32x1024xf32, #tpu.memory_space<hbm>>
      %dma_start3A_335 = arith.constant 0 : i32
      %dma_start3A_336 = tpu.memref_slice %arg4[%add3A_332, %dma_start3A_335] : memref<8192x1024xf32, #tpu.memory_space<hbm>> -> memref<32x1024xf32, #tpu.memory_space<hbm>>
      tpu.enqueue_dma source(%arg11 : memref<32x1024xf32, #tpu.memory_space<vmem>>) target(%dma_start3A_336 : memref<32x1024xf32, #tpu.memory_space<hbm>>) target_semaphore(%arg17 : memref<!tpu.dma_semaphore, #tpu.memory_space<semaphore_mem>>)
      %dma_wait3A_337 = arith.constant 0 : i32
      %dma_wait3A_338 = arith.constant 0 : i32
      %dma_wait3A_339 = tpu.memref_slice %arg3[%dma_wait3A_337, %dma_wait3A_338] : memref<8192x1024xf32, #tpu.memory_space<hbm>> -> memref<8192x1024xf32, #tpu.memory_space<hbm>>
      tpu.wait_indirect_dma semaphore(%arg12 : memref<!tpu.dma_semaphore, #tpu.memory_space<semaphore_mem>>) src(%dma_wait3A_339 : memref<8192x1024xf32, #tpu.memory_space<hbm>>) dst(%arg9 : memref<32x1024xf32, #tpu.memory_space<vmem>>)
      %add3A_340 = arith.constant 192 : i32
      %add3A_341 = arith.addi %mul3A_2, %add3A_340 : i32
      %dma_start3A_342 = arith.constant 0 : i32
      %dma_start3A_343 = tpu.memref_slice %arg4[%add3A_341, %dma_start3A_342] : memref<8192x1024xf32, #tpu.memory_space<hbm>> -> memref<32x1024xf32, #tpu.memory_space<hbm>>
      %dma_start3A_344 = arith.constant 0 : i32
      %dma_start3A_345 = tpu.memref_slice %arg4[%add3A_341, %dma_start3A_344] : memref<8192x1024xf32, #tpu.memory_space<hbm>> -> memref<32x1024xf32, #tpu.memory_space<hbm>>
      tpu.enqueue_dma source(%arg9 : memref<32x1024xf32, #tpu.memory_space<vmem>>) target(%dma_start3A_345 : memref<32x1024xf32, #tpu.memory_space<hbm>>) target_semaphore(%arg15 : memref<!tpu.dma_semaphore, #tpu.memory_space<semaphore_mem>>)
      %dma_wait3A_346 = arith.constant 0 : i32
      %dma_wait3A_347 = arith.constant 0 : i32
      %dma_wait3A_348 = tpu.memref_slice %arg3[%dma_wait3A_346, %dma_wait3A_347] : memref<8192x1024xf32, #tpu.memory_space<hbm>> -> memref<8192x1024xf32, #tpu.memory_space<hbm>>
      tpu.wait_indirect_dma semaphore(%arg13 : memref<!tpu.dma_semaphore, #tpu.memory_space<semaphore_mem>>) src(%dma_wait3A_348 : memref<8192x1024xf32, #tpu.memory_space<hbm>>) dst(%arg10 : memref<32x1024xf32, #tpu.memory_space<vmem>>)
      %add3A_349 = arith.constant 224 : i32
      %add3A_350 = arith.addi %mul3A_2, %add3A_349 : i32
      %dma_start3A_351 = arith.constant 0 : i32
      %dma_start3A_352 = tpu.memref_slice %arg4[%add3A_350, %dma_start3A_351] : memref<8192x1024xf32, #tpu.memory_space<hbm>> -> memref<32x1024xf32, #tpu.memory_space<hbm>>
      %dma_start3A_353 = arith.constant 0 : i32
      %dma_start3A_354 = tpu.memref_slice %arg4[%add3A_350, %dma_start3A_353] : memref<8192x1024xf32, #tpu.memory_space<hbm>> -> memref<32x1024xf32, #tpu.memory_space<hbm>>
      tpu.enqueue_dma source(%arg10 : memref<32x1024xf32, #tpu.memory_space<vmem>>) target(%dma_start3A_354 : memref<32x1024xf32, #tpu.memory_space<hbm>>) target_semaphore(%arg16 : memref<!tpu.dma_semaphore, #tpu.memory_space<semaphore_mem>>)
      %dma_wait3A_355 = arith.constant 0 : i32
      %dma_wait3A_356 = tpu.memref_slice %arg4[%add3A_341, %dma_wait3A_355] : memref<8192x1024xf32, #tpu.memory_space<hbm>> -> memref<32x1024xf32, #tpu.memory_space<hbm>>
      %dma_wait3A_357 = arith.constant 0 : i32
      %dma_wait3A_358 = tpu.memref_slice %arg4[%add3A_341, %dma_wait3A_357] : memref<8192x1024xf32, #tpu.memory_space<hbm>> -> memref<32x1024xf32, #tpu.memory_space<hbm>>
      tpu.wait_dma2 semaphore(%arg15 : memref<!tpu.dma_semaphore, #tpu.memory_space<semaphore_mem>>) src(%arg9 : memref<32x1024xf32, #tpu.memory_space<vmem>>) dst(%dma_wait3A_358 : memref<32x1024xf32, #tpu.memory_space<hbm>>)
      %dma_wait3A_359 = arith.constant 0 : i32
      %dma_wait3A_360 = tpu.memref_slice %arg4[%add3A_350, %dma_wait3A_359] : memref<8192x1024xf32, #tpu.memory_space<hbm>> -> memref<32x1024xf32, #tpu.memory_space<hbm>>
      %dma_wait3A_361 = arith.constant 0 : i32
      %dma_wait3A_362 = tpu.memref_slice %arg4[%add3A_350, %dma_wait3A_361] : memref<8192x1024xf32, #tpu.memory_space<hbm>> -> memref<32x1024xf32, #tpu.memory_space<hbm>>
      tpu.wait_dma2 semaphore(%arg16 : memref<!tpu.dma_semaphore, #tpu.memory_space<semaphore_mem>>) src(%arg10 : memref<32x1024xf32, #tpu.memory_space<vmem>>) dst(%dma_wait3A_362 : memref<32x1024xf32, #tpu.memory_space<hbm>>)
      %dma_wait3A_363 = arith.constant 0 : i32
      %dma_wait3A_364 = tpu.memref_slice %arg4[%add3A_332, %dma_wait3A_363] : memref<8192x1024xf32, #tpu.memory_space<hbm>> -> memref<32x1024xf32, #tpu.memory_space<hbm>>
      %dma_wait3A_365 = arith.constant 0 : i32
      %dma_wait3A_366 = tpu.memref_slice %arg4[%add3A_332, %dma_wait3A_365] : memref<8192x1024xf32, #tpu.memory_space<hbm>> -> memref<32x1024xf32, #tpu.memory_space<hbm>>
      tpu.wait_dma2 semaphore(%arg17 : memref<!tpu.dma_semaphore, #tpu.memory_space<semaphore_mem>>) src(%arg11 : memref<32x1024xf32, #tpu.memory_space<vmem>>) dst(%dma_wait3A_366 : memref<32x1024xf32, #tpu.memory_space<hbm>>)
    } else {
    }
    return
  }
}

</mosaic_0001>

<sc_bundles>
// kernel: kernel.3.cloned.1.call-start
scs
__scs_entry_jumppad:
0x0: {  	(pc) =	sbr.rel $0x88, $3  }
0x1: {  	(tag) =	ssettag $0x0;
	lr =	simm.s32 $0x1  }
0x2: {  	[smem:$0x3F9F] =	sst lr;
	_ =	strace $0xD0000000  }
0x3: {  	_ = 	snop  }
0x4: {  	_ = 	snop  }
0x5: {  	_ = 	snop  }
0x6: {  	_ = 	snop  }
0x7: {  	_ = 	snop  }
__scs_overlays_trampoline_lowered:
0x8: {  	[smem:$0x3FAE] =	sst s0  }
0x9: {  	[smem:$0x3FAF] =	sst s1  }
0xa: {  	[smem:$0x3FB0] =	sst s2  }
0xb: {  	[smem:$0x3FB1] =	sst s3  }
0xc: {  	[smem:$0x3FB2] =	sst s4  }
0xd: {  	[smem:$0x3FB3] =	sst s5  }
0xe: {  	[smem:$0x3FB4] =	sst s6  }
0xf: {  	[smem:$0x3FB5] =	sst s7  }
0x10: {  	[smem:$0x3FB6] =	sst s8  }
0x11: {  	[smem:$0x3FB7] =	sst s9;
	s0 =	simm.s32 @!p0 $0x0  }
0x12: {  	s1 =	sld [smem:$0x3F9D];
	s0 =	simm.s32 @p0 $0x1  }
0x13: {  	[smem:$0x3FB8] =	sst s0;
	s0 =	simm.s32 @!p1 $0x0  }
0x14: {  	s2 =	sld [smem:$0x3F9C];
	s0 =	simm.s32 @p1 $0x1  }
0x15: {  	[smem:$0x3FB9] =	sst s0;
	s0 =	simm.s32 @!p2 $0x0  }
0x16: {  	s3 =	sld [smem:$0x3FDB];
	s0 =	simm.s32 @p2 $0x1  }
0x17: {  	s4 =	simm.s32 $0x1BF5;
	[smem:$0x3FBB] =	sst s0  }
0x18: {  	s0 =	sld [smem:$0x3F9E];
	_ =	swait.ge [sflag:s4], $0x0  }
0x19: {  	s7 =	sld [smem:$0x3F9F]  }
0x1a: {  	s8 =	sadd.s32 $0xFFFFE003, lr  }
0x1b: {  	s9 =	sadd.s32 $0xFFFFFEF7, lr;
	s5 =	simm.s32 $0xFFFFFFFF;
	p2 =	slt.u32 s8, $0xFFFFF086  }
0x1c: {  	p1 =	slt.u32 s9, $0xF7A;
	s5 =	simm.s32 @!p2 $0x0  }
0x1d: {  	s5 =	simm.s32 @p1 $0x1;
	p0 =	seq.s32 s7, s2  }
0x1e: {  	s7 =	smul.u32 @!p0 $0xF7A, s2;
	p2 =	seq.s32 @!p0 s5, $0x0  }
0x1f: {  	s9 =	smul.u32 $0xF7A, s1;
	s8 =	simm.s32 @!p0 $0x1BF5;
	p2 =	por !p2, p0  }
0x20: {  	[sflag:s8] =	ssyncset.s32 @!p0 $0xFFFFF086;
	s6 =	sadd.s32 @!p0 s3, s7;
	s7 =	simm.s32 @!p0 $0x108  }
0x21: {  	s3 =	sadd.s32 s3, s9;
	s6 =	sadd.s32 @!p0 $0x88, s6;
	s7 =	simm.s32 @p2 $0x1082  }
0x22: {  	[simem:s7], [sflag:s8] =	dma.local @!p0 [hbm:s6], $0xF7A  }
0x23: {  	s9 =	sor.u32 $0xD0000000, s2;
	s6 =	simm.s32 $0x108;
	_ =	swait.ge @!p0 [sflag:s8], $0x0  }
0x24: {  	s3 =	sadd.s32 $0x88, s3;
	s6 =	simm.s32 @!p1 $0x1082;
	[sflag:s4] =	ssyncset.s32 $0xFFFFF086  }
0x25: {  	[simem:s6], [sflag:s4] =	dma.local [hbm:s3], $0xF7A  }
0x26: {  	[smem:$0x3F9F] =	sst s1;
	(tag) =	ssettag s2;
	_ =	strace s9  }
0x27: {  	s1 =	sld [smem:$0x3FAF]  }
0x28: {  	s2 =	sld [smem:$0x3FB0]  }
0x29: {  	s4 =	sld [smem:$0x3FB2]  }
0x2a: {  	p0 =	seq.s32 s5, $0x0;
	s5 =	sld [smem:$0x3FB3]  }
0x2b: {  	s6 =	sld [smem:$0x3FB4]  }
0x2c: {  	s7 =	sld [smem:$0x3FB5]  }
0x2d: {  	s3 =	simm.s32 $0x108;
	s8 =	sld [smem:$0x3FB6]  }
0x2e: {  	s3 =	simm.s32 @!p0 $0x1082;
	s9 =	sld [smem:$0x3FB7]  }
0x2f: {  	lr =	sadd.s32 s0, s3;
	s0 =	sld [smem:$0x3FAE]  }
0x30: {  	s3 =	sld [smem:$0x3FB1]  }
0x31: {  	[smem:$0x3FBA] =	sst s10  }
0x32: {  	s10 =	sld [smem:$0x3FB8];
	_ =	sdelay $0x3  }
0x33: {  	p0 =	seq.s32 s10, $0x1;
	s10 =	sld [smem:$0x3FBA];
	_ =	sdelay $0x3  }
0x34: {  	[smem:$0x3FBA] =	sst s10  }
0x35: {  	s10 =	sld [smem:$0x3FB9];
	_ =	sdelay $0x3  }
0x36: {  	p1 =	seq.s32 s10, $0x1;
	s10 =	sld [smem:$0x3FBA];
	_ =	sdelay $0x3  }
0x37: {  	[smem:$0x3FBA] =	sst s10  }
0x38: {  	s10 =	sld [smem:$0x3FBB]  }
0x39: {  	_ = 	snop;
	(pc) =	sbr.ind lr, $3  }
0x3a: {  	_ = 	snop  }
0x3b: {  	_ = 	snop  }
0x3c: {  	p2 =	seq.s32 s10, $0x1;
	s10 =	sld [smem:$0x3FBA]  }
0x3d: {  	_ =	shalt  }
0x3e: {  	_ =	shalt  }
0x3f: {  	_ =	shalt  }
0x40: {  	_ =	shalt  }
0x41: {  	_ =	shalt  }
0x42: {  	_ =	shalt  }
0x43: {  	_ =	shalt  }
0x44: {  	_ =	shalt  }
0x45: {  	_ =	shalt  }
0x46: {  	_ =	shalt  }
0x47: {  	_ =	shalt  }
0x48: {  	_ =	shalt  }
0x49: {  	_ =	shalt  }
0x4a: {  	_ =	shalt  }
0x4b: {  	_ =	shalt  }
0x4c: {  	_ =	shalt  }
0x4d: {  	_ =	shalt  }
0x4e: {  	_ =	shalt  }
0x4f: {  	_ =	shalt  }
0x50: {  	_ =	shalt  }
0x51: {  	_ =	shalt  }
0x52: {  	_ =	shalt  }
0x53: {  	_ =	shalt  }
0x54: {  	_ =	shalt  }
0x55: {  	_ =	shalt  }
0x56: {  	_ =	shalt  }
0x57: {  	_ =	shalt  }
0x58: {  	_ =	shalt  }
0x59: {  	_ =	shalt  }
0x5a: {  	_ =	shalt  }
0x5b: {  	_ =	shalt  }
0x5c: {  	_ =	shalt  }
0x5d: {  	_ =	shalt  }
0x5e: {  	_ =	shalt  }
0x5f: {  	_ =	shalt  }
0x60: {  	_ =	shalt  }
0x61: {  	_ =	shalt  }
0x62: {  	_ =	shalt  }
0x63: {  	_ =	shalt  }
0x64: {  	_ =	shalt  }
0x65: {  	_ =	shalt  }
0x66: {  	_ =	shalt  }
0x67: {  	_ =	shalt  }
0x68: {  	_ =	shalt  }
0x69: {  	_ =	shalt  }
0x6a: {  	_ =	shalt  }
0x6b: {  	_ =	shalt  }
0x6c: {  	_ =	shalt  }
0x6d: {  	_ =	shalt  }
0x6e: {  	_ =	shalt  }
0x6f: {  	_ =	shalt  }
0x70: {  	_ =	shalt  }
0x71: {  	_ =	shalt  }
0x72: {  	_ =	shalt  }
0x73: {  	_ =	shalt  }
0x74: {  	_ =	shalt  }
0x75: {  	_ =	shalt  }
0x76: {  	_ =	shalt  }
0x77: {  	_ =	shalt  }
0x78: {  	_ =	shalt  }
0x79: {  	_ =	shalt  }
0x7a: {  	_ =	shalt  }
0x7b: {  	_ =	shalt  }
0x7c: {  	_ =	shalt  }
0x7d: {  	_ =	shalt  }
0x7e: {  	_ =	shalt  }
0x7f: {  	_ =	shalt  }
0x80: {  	_ =	shalt  }
0x81: {  	_ =	shalt  }
0x82: {  	_ =	shalt  }
0x83: {  	_ =	shalt  }
0x84: {  	_ =	shalt  }
0x85: {  	_ =	shalt  }
0x86: {  	_ =	shalt  }
0x87: {  	_ =	shalt  }
.Lfunc_end0:
.L_simem_size_0:
called_computation_lowered:
.L_overlay_start_0:
0x88: {  	s2 =	sld [smem:$0x3FD9]  }
0x89: {  	s3 =	sld [smem:$0x3FFE];
	_ =	sdelay $0x1  }
0x8a: {  	s1 =	srdreg.scid  }
0x8b: {  	s0 =	sand.u32 $0x1, s1  }
0x8c: {  	s17 =	sshll.u32 s0, $0xA;
	s2 =	sadd.s32 s3, s2  }
0x8d: {  	s2 =	sadd.s32 s2, s17  }
0x8e: {  	[smem:$0x3FC6] =	sst s2  }
0x8f: {  	_ = 	snop  }
0x90: {  	s2 =	sld [smem:$0x3FC8]  }
0x91: {  	s18 =	sld [smem:$0x3FD0];
	(tm) =	ssettm $0x1  }
0x92: {  	s4 =	sld [smem:$0x3FFB];
	_ =	sdelay $0x3  }
0x93: {  	_ =	strace s4  }
0x94: {  	s4 =	sld [smem:$0x3FFC];
	_ =	sdelay $0x3  }
0x95: {  	_ =	strace s4  }
0x96: {  	s4 =	sld [smem:$0x3FFD];
	_ =	sdelay $0x3  }
0x97: {  	_ =	strace s4  }
0x98: {  	_ =	strace $0x8FFFFFFF  }
0x99: {  	s19 =	sld [smem:$0x3FDB];
	_ =	sdelay $0x1  }
0x9a: {  	s5 =	simm.s32 $_scs_section_size  }
0x9b: {  	s6 =	simm.s32 $_size__tile_overlayer_lowered;
	s7 =	simm.s32 $_tile_overlayer_lowered  }
0x9c: {  	s22 =	simm.s32 $0x1BFF;
	s21 =	sshll.u32 s7, $0x1;
	s4 =	sadd.s32 s5, s19  }
0x9d: {  	s8 =	simm.s32 $0x0;
	s20 =	sshll.u32 s6, $0x1;
	s6 =	sadd.s32 s21, s4  }
0x9e: {  	[timem:s8], [sflag:s22] =	dma.local [hbm:s6], s20  }
0x9f: {  	_ =	swait.ge [sflag:s22], s20  }
0xa0: {  	s5 =	ssub.s32 $0x0, s20;
	[sflag:s22] =	ssyncset.done $0x0  }
0xa1: {  	[sflag:s22] =	ssyncadd.s32 s5;
	_ =	sdelay $0x1  }
0xa2: {  	s23 =	simm.s32 $0x1B8B  }
0xa3: {  	_ =	swait.ge [sflag:s23], $0x1  }
0xa4: {  	[sflag:s23] =	ssyncset.done $0x0  }
0xa5: {  	s25 =	simm.s32 $0x1B8E;
	s24 =	sld [smem:$0x3FFE];
	[sflag:s23] =	ssyncadd.s32 $0xFFFFFFFF  }
0xa6: {  	s26 =	simm.s32 $execute0_lowered;
	[smem:$0x3FD2] =	sst s25  }
0xa7: {  	s6 =	sshll.u32 s26, $0x1;
	_ =	strace $0x80000046;
	[dreg:$0x1] =	wrdreg $0xFFFFFFFF  }
0xa8: {  	s28 =	simm.s32 $_size_execute0_lowered;
	s4 =	sadd.s32 s4, s6;
	[dreg:$0x0] =	wrdreg $0x0  }
0xa9: {  	s6 =	sshll.u32 s28, $0x1;
	[dreg:$0x2] =	wrdreg s4  }
0xaa: {  	[dreg:$0x3] =	wrdreg s6  }
0xab: {  	[dreg:$0x4] =	wrdreg $0xC0  }
0xac: {  	_ =	task [dreg:s8], $0x5FFFF  }
0xad: {  	[dreg:$0x1] =	wrdreg $0xFFFFFFFF  }
0xae: {  	[dreg:$0x0] =	wrdreg $0x60  }
0xaf: {  	[dreg:$0x2] =	wrdreg s24  }
0xb0: {  	[dreg:$0x3] =	wrdreg s2  }
0xb1: {  	[dreg:$0x4] =	wrdreg s18  }
0xb2: {  	[dreg:$0x5] =	wrdreg $0x9  }
0xb3: {  	_ =	task.clear_ibuf [dreg:s8], $0x6FFFF;
	_ =	strace $0x90000046  }
0xb4: {  	s29 =	simm.s32 $0x9;
	_ =	strace $0x80000048  }
0xb5: {  	_ =	swait.ge [sflag:s29], $0x1  }
0xb6: {  	[sflag:s29] =	ssyncadd.s32 $0xFFFFFFFF  }
0xb7: {  	_ =	strace $0x90000048  }
0xb8: {  	_ =	sfence  }
0xb9: {  	s30 =	sld [smem:$0x0];
	_ =	sdelay $0x2  }
0xba: {  	s31 =	sshll.u32 s1, $0xD;
	s1 =	sshrl.u32 s1, $0x2  }
0xbb: {  	s3 =	sand.u32 $0x4000, s31;
	s1 =	sadd.s32 s1, s30  }
0xbc: {  	s0 =	sor.u32 s3, s0;
	s1 =	sshll.u32 s1, $0x11  }
0xbd: {  	s0 =	sor.u32 s1, s0  }
0xbe: {  	s0 =	sadd.s32 $0x8F2B, s0  }
0xbf: {  	[sflag:s0] =	ssyncadd.remote.s32 $0x1  }
0xc0: {  	_ =	sfence.sel $0xFFFF  }
0xc1: {  	[dreg:$0x0] =	wrdreg $0xFFFFFFFF;
	(pc) =	sbr.abs _section_cstart, $3  }
0xc2: {  	[dreg:$0x1] =	wrdreg $0xFFFFFFFF  }
0xc3: {  	_ =	task.clear_ibuf [dreg:s8], $0x2FFFF;
	_ =	strace $0x9FFFFFFF  }
0xc4: {  	(tm) =	ssettm $0x7FFFFFFF  }
0xc5: {  	_ =	shalt  }
tec
execute0_lowered:
.L_overlay_start_1:
0x0: {  	(tag) =	ssettag $0x1  }
0x1: {  	s0 =	rddreg [dreg:$0x0]  }
0x2: {  	s1 =	rddreg [dreg:$0x1]  }
0x3: {  	s3 =	rddreg [dreg:$0x2];
	s2 =	srdreg.scid  }
0x4: {  	s4 =	simm.s32 $0x0;
	s6 =	stileid.u32;
	s2 =	sand.u32 $0x1, s2  }
0x5: {  	[smem:$0x7FF] =	sst s4;
	s6 =	sshll.u32 s6, $0x8;
	s28 =	sadd.s32 $0x100, s1  }
0x6: {  	s29 =	sadd.s32 $0x200, s1;
	s30 =	sadd.s32 $0x300, s1;
	s5 =	sshll.u32 s2, $0xC  }
0x7: {  	_ =	strace $0x80000047;
	s2 =	ssub.s32 $0x2, s2;
	s14 =	sor.u32 s6, s5  }
0x8: {  	s5 =	sadd.s32 $0x400, s0;
	s24 =	sshrl.u32 s2, $0x1;
	s21 =	sor.u32 $0x20, s14  }
0x9: {  	s0 =	ssub.s32 s2, s24;
	s25 =	sshll.u32 s14, $0x7;
	s19 =	sor.u32 $0x40, s14  }
0xa: {  	s18 =	sor.u32 $0x60, s14;
	s17 =	sor.u32 $0x80, s14;
	s31 =	sor.u32 $0xC0, s14  }
0xb: {  	[dreg:$0x18] =	wrdreg s5;
	s8 =	sshll.u32 s21, $0x7;
	s26 =	sadd.s32 s3, s25  }
0xc: {  	s6 =	sadd.s32 s1, s25;
	s15 =	sor.u32 $0x5000, s25;
	[dreg:$0x16] =	wrdreg s26  }
0xd: {  	s10 =	sor.u32 $0x2000, s25;
	s16 =	sor.u32 $0x6000, s25;
	[dreg:$0x8] =	wrdreg s15  }
0xe: {  	s12 =	sor.u32 $0x3000, s25;
	s20 =	sor.u32 $0x7000, s25;
	[dreg:$0xa] =	wrdreg s16  }
0xf: {  	v18 =	vlaneseq.u32;
	s22 =	sshll.u32 s19, $0x7;
	s23 =	sshll.u32 s18, $0x7;
	[dreg:$0xc] =	wrdreg s20  }
0x10: {  	v4 =	vor.u32 s19, v18;
	s19 =	simm.s32 $0x13200;
	s9 =	sadd.s32 s1, s10;
	[dreg:$0x1a] =	wrdreg s6  }
0x11: {  	v6 =	vor.u32 s18, v18;
	s18 =	simm.s32 $0x13A00;
	s11 =	sadd.s32 s1, s12;
	[dreg:$0x4] =	wrdreg s9  }
0x12: {  	s7 =	sadd.s32 s1, s8;
	s8 =	sadd.s32 s3, s8;
	[dreg:$0x5] =	wrdreg s11  }
0x13: {  	s10 =	sadd.s32 s3, s10;
	s12 =	sadd.s32 s3, s12;
	[dreg:$0x17] =	wrdreg s8  }
0x14: {  	s2 =	sadd.s32 s3, s22;
	s24 =	sadd.s32 s3, s23;
	[dreg:$0x7] =	wrdreg s10  }
0x15: {  	s22 =	smax.u32 s0, $0x1;
	s26 =	sadd.s32 s1, s15;
	[dreg:$0x9] =	wrdreg s12  }
0x16: {  	s0 =	sor.u32 $0x10, s14;
	s23 =	sor.u32 $0xD0, s14;
	[dreg:$0xd] =	wrdreg s2  }
0x17: {  	s11 =	sor.u32 $0x4000, s25;
	[dreg:$0xe] =	wrdreg s24;
	s25 =	sshll.u32 s17, $0x7  }
0x18: {  	s9 =	sor.u32 $0xFF, s14;
	[dreg:$0x10] =	wrdreg s26;
	s10 =	sor.u32 $0x70, s14  }
0x19: {  	s24 =	sor.u32 $0x90, s14;
	s26 =	sor.u32 $0xE0, s14;
	[dreg:$0x19] =	wrdreg s7  }
0x1a: {  	v8 =	vor.u32 s17, v18;
	v13 =	vor.u32 s23, v18;
	s23 =	simm.s32 $0x12A00;
	s17 =	simm.s32 $0x14200;
	[dreg:$0x1d] =	wrdreg s10  }
0x1b: {  	s13 =	sadd.s32 s1, s11;
	s8 =	sadd.s32 s3, s11;
	[dreg:$0x1b] =	wrdreg s9  }
0x1c: {  	s2 =	sadd.s32 s3, s25;
	s25 =	sor.u32 $0xA0, s14;
	[dreg:$0x6] =	wrdreg s13  }
0x1d: {  	s11 =	sor.u32 $0xB0, s14;
	s15 =	sshll.u32 s26, $0x7;
	[dreg:$0xb] =	wrdreg s8  }
0x1e: {  	s10 =	simm.s32 $0x8200;
	v14 =	vor.u32 s26, v18;
	s26 =	simm.s32 $0x5;
	[dreg:$0xf] =	wrdreg s2  }
0x1f: {  	v9 =	vor.u32 s24, v18;
	s24 =	simm.s32 $0x11200;
	s2 =	sadd.s32 s1, s16;
	[dreg:$0x1c] =	wrdreg s11  }
0x20: {  	s8 =	sadd.s32 s1, s20;
	s16 =	sor.u32 $0x50, s14;
	[dreg:$0x15] =	wrdreg s15  }
0x21: {  	v2 =	vor.u32 s21, v18;
	s20 =	sor.u32 $0xF0, s14;
	s12 =	sshll.u32 s25, $0x7;
	s21 =	rddreg [dreg:$0x1d]  }
0x22: {  	s13 =	sshll.u32 s31, $0x7;
	s11 =	simm.s32 $0x7;
	[dreg:$0x11] =	wrdreg s2  }
.Ltmp0:
0x23: {  	vm0 =	vmmov $0xffff;
	v17 =	vshrl.u32 v18, $0x3;
	s15 =	simm.s32 $0x2;
	[dreg:$0x12] =	wrdreg s8;
	(pc) =	sbr.rel .LBB2_1-.Ltmp0, $4  }
0x24: {  	v16 =	vand.u32 $0x7, v18;
	v17 =	vmul.u32 $0x8, v17;
	v12 =	vor.u32 s31, v18;
	s31 =	simm.s32 $0x3;
	s2 =	sor.u32 $0x30, s14;
	[dreg:$0x13] =	wrdreg s12  }
0x25: {  	v0 =	vor.u32 s14, v18;
	v1 =	vor.u32 s0, v18;
	v10 =	vor.u32 s25, v18;
	[dreg:$0x14] =	wrdreg s13;
	s8 =	simm.s32 $0x200;
	s13 =	simm.s32 $0x1  }
0x26: {  	s12 =	simm.s32 $0x10200;
	v5 =	vor.u32 s16, v18;
	v7 =	vor.u32 s21, v18;
	s25 =	rddreg [dreg:$0x1c];
	v15 =	vor.u32 s20, v18;
	s14 =	simm.s32 $0x6  }
0x27: {  	s20 =	simm.s32 $0x11A00;
	s21 =	simm.s32 $0x12200;
	v3 =	vor.u32 s2, v18;
	v11 =	vor.u32 s25, v18;
	s25 =	simm.s32 $0x4;
	v18 =	vor.u32 $0x8, v18  }
.LBB2_3:
0x28: {  	vm1 =	vlt.s32 v0, v19  }
0x29: {  	v20 =	vsel vm1, v0, v19  }
0x2a: {  	v21 =	vshll.u32 v20, $0x3  }
0x2b: {  	v22 =	vand.u32 $0x7, v20;
	v21 =	vand.u32 $0xFFC0, v21  }
0x2c: {  	_ =	swait.ge [sflag:s13], $0x8000;
	v21 =	vor.u32 v22, v21  }
0x2d: {  	[sflag:s13] =	ssyncset.done $0x0;
	v22 =	vperm.xlane v21, v16  }
0x2e: {  	[sflag:s13] =	ssyncadd.s32 $0xFFFF8000  }
0x2f: {  	_ =	swait.ge [sflag:s15], $0x8000;
	v22 =	vadd.s32 v17, v22  }
0x30: {  	vm1 =	vlt.s32 v1, v19;
	[sflag:s15] =	ssyncset.done $0x0  }
0x31: {  	v20 =	vand.u32 $0x1FFF, v20;
	v23 =	vsel vm1, v1, v19;
	[sflag:s15] =	ssyncadd.s32 $0xFFFF8000  }
0x32: {  	[tilespmem:$0x80] =	vst v20;
	v20 =	vand.u32 $0x1FFF, v23  }
0x33: {  	[tilespmem:$0x90] =	vst v20  }
0x34: {  	[tilespmem:s8], [sflag:$0x1] =	stream.indirect_vreg.gather [hbm4b:s1+s4], $0x80, v22, vm0, $0xb8;
	[tilespmem:$0x18200] =	vst v63  }
0x35: {  	s0 =	simm.s32 $0xA00;
	v20 =	vperm.xlane v21, v18  }
0x36: {  	[tilespmem:s0], [sflag:$0x1] =	stream.indirect_vreg.gather [hbm4b:s28+s4], $0x80, v22, vm0, $0xb8;
	[tilespmem:$0x18200] =	vst v63  }
0x37: {  	s3 =	simm.s32 $0x1200;
	v20 =	vadd.s32 v17, v20  }
0x38: {  	[tilespmem:s3], [sflag:$0x1] =	stream.indirect_vreg.gather [hbm4b:s29+s4], $0x80, v22, vm0, $0xb8;
	[tilespmem:$0x18200] =	vst v63  }
0x39: {  	s5 =	simm.s32 $0x1A00  }
0x3a: {  	[tilespmem:s5], [sflag:$0x1] =	stream.indirect_vreg.gather [hbm4b:s30+s4], $0x80, v22, vm0, $0xb8;
	[tilespmem:$0x18200] =	vst v63  }
0x3b: {  	s6 =	simm.s32 $0x2200  }
0x3c: {  	[tilespmem:s6], [sflag:$0x1] =	stream.indirect_vreg.gather [hbm4b:s1+s4], $0x80, v20, vm0, $0xb8;
	[tilespmem:$0x18200] =	vst v63  }
0x3d: {  	s7 =	simm.s32 $0x2A00  }
0x3e: {  	[tilespmem:s7], [sflag:$0x1] =	stream.indirect_vreg.gather [hbm4b:s28+s4], $0x80, v20, vm0, $0xb8;
	[tilespmem:$0x18200] =	vst v63  }
0x3f: {  	s9 =	simm.s32 $0x3200  }
0x40: {  	[tilespmem:s9], [sflag:$0x1] =	stream.indirect_vreg.gather [hbm4b:s29+s4], $0x80, v20, vm0, $0xb8;
	[tilespmem:$0x18200] =	vst v63  }
0x41: {  	s11 =	simm.s32 $0x3A00  }
0x42: {  	[tilespmem:s11], [sflag:$0x1] =	stream.indirect_vreg.gather [hbm4b:s30+s4], $0x80, v20, vm0, $0xb8;
	[tilespmem:$0x18200] =	vst v63  }
0x43: {  	v20 =	vld [tilespmem:$0x90];
	_ =	sdelay $0x4  }
0x44: {  	v31 =	vshll.u32 v20, $0x3  }
0x45: {  	v20 =	vand.u32 $0x7, v20;
	v21 =	vand.u32 $0xFFFFFFC0, v31  }
0x46: {  	v20 =	vor.u32 v20, v21  }
0x47: {  	v21 =	vperm.xlane v20, v16;
	_ =	sdelay $0x1  }
0x48: {  	v21 =	vadd.s32 v17, v21;
	_ =	sdelay $0x3  }
0x49: {  	s16 =	simm.s32 $0x4200  }
0x4a: {  	[tilespmem:s16], [sflag:$0x1] =	stream.indirect_vreg.gather [hbm4b:s1+s4], $0x80, v21, vm0, $0xb8;
	[tilespmem:$0x18200] =	vst v63  }
0x4b: {  	s2 =	simm.s32 $0x4A00;
	v20 =	vperm.xlane v20, v18  }
0x4c: {  	[tilespmem:s2], [sflag:$0x1] =	stream.indirect_vreg.gather [hbm4b:s28+s4], $0x80, v21, vm0, $0xb8;
	[tilespmem:$0x18200] =	vst v63  }
0x4d: {  	s3 =	simm.s32 $0x5200;
	v20 =	vadd.s32 v17, v20  }
0x4e: {  	[tilespmem:s3], [sflag:$0x1] =	stream.indirect_vreg.gather [hbm4b:s29+s4], $0x80, v21, vm0, $0xb8;
	[tilespmem:$0x18200] =	vst v63  }
0x4f: {  	vm1 =	vlt.s32 v2, v19;
	s5 =	simm.s32 $0x5A00  }
0x50: {  	v32 =	vsel vm1, v2, v19;
	[tilespmem:s5], [sflag:$0x1] =	stream.indirect_vreg.gather [hbm4b:s30+s4], $0x80, v21, vm0, $0xb8;
	[tilespmem:$0x18200] =	vst v63  }
0x51: {  	v33 =	vshll.u32 v32, $0x3;
	s6 =	simm.s32 $0x6200  }
0x52: {  	v34 =	vand.u32 $0x7, v32;
	v22 =	vand.u32 $0xFFC0, v33;
	[tilespmem:s6], [sflag:$0x1] =	stream.indirect_vreg.gather [hbm4b:s1+s4], $0x80, v20, vm0, $0xb8;
	[tilespmem:$0x18200] =	vst v63  }
0x53: {  	v22 =	vor.u32 v34, v22;
	s7 =	simm.s32 $0x6A00  }
0x54: {  	v23 =	vperm.xlane v22, v16;
	[tilespmem:s7], [sflag:$0x1] =	stream.indirect_vreg.gather [hbm4b:s28+s4], $0x80, v20, vm0, $0xb8;
	[tilespmem:$0x18200] =	vst v63  }
0x55: {  	s9 =	simm.s32 $0x7200  }
0x56: {  	v23 =	vadd.s32 v17, v23;
	[tilespmem:s9], [sflag:$0x1] =	stream.indirect_vreg.gather [hbm4b:s29+s4], $0x80, v20, vm0, $0xb8;
	[tilespmem:$0x18200] =	vst v63  }
0x57: {  	vm1 =	vlt.s32 v3, v19;
	s11 =	simm.s32 $0x7A00  }
0x58: {  	v35 =	vsel vm1, v3, v19;
	[tilespmem:s11], [sflag:$0x1] =	stream.indirect_vreg.gather [hbm4b:s30+s4], $0x80, v20, vm0, $0xb8;
	v20 =	vand.u32 $0x1FFF, v32;
	[tilespmem:$0x18200] =	vst v63  }
0x59: {  	[tilespmem:$0x100] =	vst v20;
	v20 =	vand.u32 $0x1FFF, v35  }
0x5a: {  	[tilespmem:$0x110] =	vst v20  }
0x5b: {  	[tilespmem:s10], [sflag:$0x2] =	stream.indirect_vreg.gather [hbm4b:s1+s4], $0x80, v23, vm0, $0xb8;
	[tilespmem:$0x18200] =	vst v63  }
0x5c: {  	s16 =	simm.s32 $0x8A00;
	v20 =	vperm.xlane v22, v18  }
0x5d: {  	[tilespmem:s16], [sflag:$0x2] =	stream.indirect_vreg.gather [hbm4b:s28+s4], $0x80, v23, vm0, $0xb8;
	[tilespmem:$0x18200] =	vst v63  }
0x5e: {  	s2 =	simm.s32 $0x9200;
	v20 =	vadd.s32 v17, v20  }
0x5f: {  	[tilespmem:s2], [sflag:$0x2] =	stream.indirect_vreg.gather [hbm4b:s29+s4], $0x80, v23, vm0, $0xb8;
	[tilespmem:$0x18200] =	vst v63  }
0x60: {  	s3 =	simm.s32 $0x9A00  }
0x61: {  	[tilespmem:s3], [sflag:$0x2] =	stream.indirect_vreg.gather [hbm4b:s30+s4], $0x80, v23, vm0, $0xb8;
	[tilespmem:$0x18200] =	vst v63  }
0x62: {  	s5 =	simm.s32 $0xA200  }
0x63: {  	[tilespmem:s5], [sflag:$0x2] =	stream.indirect_vreg.gather [hbm4b:s1+s4], $0x80, v20, vm0, $0xb8;
	[tilespmem:$0x18200] =	vst v63  }
0x64: {  	s6 =	simm.s32 $0xAA00  }
0x65: {  	[tilespmem:s6], [sflag:$0x2] =	stream.indirect_vreg.gather [hbm4b:s28+s4], $0x80, v20, vm0, $0xb8;
	[tilespmem:$0x18200] =	vst v63  }
0x66: {  	s7 =	simm.s32 $0xB200  }
0x67: {  	[tilespmem:s7], [sflag:$0x2] =	stream.indirect_vreg.gather [hbm4b:s29+s4], $0x80, v20, vm0, $0xb8;
	[tilespmem:$0x18200] =	vst v63  }
0x68: {  	s9 =	simm.s32 $0xBA00  }
0x69: {  	[tilespmem:s9], [sflag:$0x2] =	stream.indirect_vreg.gather [hbm4b:s30+s4], $0x80, v20, vm0, $0xb8;
	[tilespmem:$0x18200] =	vst v63  }
0x6a: {  	v20 =	vld [tilespmem:$0x110];
	_ =	sdelay $0x4  }
0x6b: {  	v36 =	vshll.u32 v20, $0x3  }
0x6c: {  	v20 =	vand.u32 $0x7, v20;
	v21 =	vand.u32 $0xFFFFFFC0, v36  }
0x6d: {  	v20 =	vor.u32 v20, v21  }
0x6e: {  	v21 =	vperm.xlane v20, v16;
	_ =	sdelay $0x1  }
0x6f: {  	v21 =	vadd.s32 v17, v21;
	_ =	sdelay $0x3  }
0x70: {  	s11 =	simm.s32 $0xC200  }
0x71: {  	[tilespmem:s11], [sflag:$0x2] =	stream.indirect_vreg.gather [hbm4b:s1+s4], $0x80, v21, vm0, $0xb8;
	[tilespmem:$0x18200] =	vst v63  }
0x72: {  	s16 =	simm.s32 $0xCA00;
	v20 =	vperm.xlane v20, v18  }
0x73: {  	[tilespmem:s16], [sflag:$0x2] =	stream.indirect_vreg.gather [hbm4b:s28+s4], $0x80, v21, vm0, $0xb8;
	[tilespmem:$0x18200] =	vst v63  }
0x74: {  	s2 =	simm.s32 $0xD200;
	v20 =	vadd.s32 v17, v20  }
0x75: {  	[tilespmem:s2], [sflag:$0x2] =	stream.indirect_vreg.gather [hbm4b:s29+s4], $0x80, v21, vm0, $0xb8;
	[tilespmem:$0x18200] =	vst v63  }
0x76: {  	vm1 =	vlt.s32 v4, v19;
	s3 =	simm.s32 $0xDA00  }
0x77: {  	v37 =	vsel vm1, v4, v19;
	[tilespmem:s3], [sflag:$0x2] =	stream.indirect_vreg.gather [hbm4b:s30+s4], $0x80, v21, vm0, $0xb8;
	[tilespmem:$0x18200] =	vst v63  }
0x78: {  	v38 =	vshll.u32 v37, $0x3;
	s5 =	simm.s32 $0xE200  }
0x79: {  	v39 =	vand.u32 $0x7, v37;
	v22 =	vand.u32 $0xFFC0, v38;
	[tilespmem:s5], [sflag:$0x2] =	stream.indirect_vreg.gather [hbm4b:s1+s4], $0x80, v20, vm0, $0xb8;
	[tilespmem:$0x18200] =	vst v63  }
0x7a: {  	v22 =	vor.u32 v39, v22;
	s6 =	simm.s32 $0xEA00  }
0x7b: {  	v23 =	vperm.xlane v22, v16;
	[tilespmem:s6], [sflag:$0x2] =	stream.indirect_vreg.gather [hbm4b:s28+s4], $0x80, v20, vm0, $0xb8;
	[tilespmem:$0x18200] =	vst v63  }
0x7c: {  	s7 =	simm.s32 $0xF200  }
0x7d: {  	v23 =	vadd.s32 v17, v23;
	[tilespmem:s7], [sflag:$0x2] =	stream.indirect_vreg.gather [hbm4b:s29+s4], $0x80, v20, vm0, $0xb8;
	[tilespmem:$0x18200] =	vst v63  }
0x7e: {  	vm1 =	vlt.s32 v5, v19;
	s9 =	simm.s32 $0xFA00  }
0x7f: {  	v40 =	vsel vm1, v5, v19;
	[tilespmem:s9], [sflag:$0x2] =	stream.indirect_vreg.gather [hbm4b:s30+s4], $0x80, v20, vm0, $0xb8;
	v20 =	vand.u32 $0x1FFF, v37;
	[tilespmem:$0x18200] =	vst v63  }
0x80: {  	[tilespmem:$0x180] =	vst v20;
	v20 =	vand.u32 $0x1FFF, v40  }
0x81: {  	[tilespmem:$0x190] =	vst v20  }
0x82: {  	[tilespmem:s12], [sflag:$0x3] =	stream.indirect_vreg.gather [hbm4b:s1+s4], $0x80, v23, vm0, $0xb8;
	[tilespmem:$0x18200] =	vst v63  }
0x83: {  	s3 =	simm.s32 $0x10A00;
	v20 =	vperm.xlane v22, v18  }
0x84: {  	[tilespmem:s3], [sflag:$0x3] =	stream.indirect_vreg.gather [hbm4b:s28+s4], $0x80, v23, vm0, $0xb8;
	[tilespmem:$0x18200] =	vst v63  }
0x85: {  	v20 =	vadd.s32 v17, v20  }
0x86: {  	[tilespmem:s24], [sflag:$0x3] =	stream.indirect_vreg.gather [hbm4b:s29+s4], $0x80, v23, vm0, $0xb8;
	[tilespmem:$0x18200] =	vst v63  }
0x87: {  	_ = 	snop  }
0x88: {  	[tilespmem:s20], [sflag:$0x3] =	stream.indirect_vreg.gather [hbm4b:s30+s4], $0x80, v23, vm0, $0xb8;
	[tilespmem:$0x18200] =	vst v63  }
0x89: {  	_ = 	snop  }
0x8a: {  	[tilespmem:s21], [sflag:$0x3] =	stream.indirect_vreg.gather [hbm4b:s1+s4], $0x80, v20, vm0, $0xb8;
	[tilespmem:$0x18200] =	vst v63  }
0x8b: {  	_ = 	snop  }
0x8c: {  	[tilespmem:s23], [sflag:$0x3] =	stream.indirect_vreg.gather [hbm4b:s28+s4], $0x80, v20, vm0, $0xb8;
	[tilespmem:$0x18200] =	vst v63  }
0x8d: {  	_ = 	snop  }
0x8e: {  	[tilespmem:s19], [sflag:$0x3] =	stream.indirect_vreg.gather [hbm4b:s29+s4], $0x80, v20, vm0, $0xb8;
	[tilespmem:$0x18200] =	vst v63  }
0x8f: {  	_ = 	snop  }
0x90: {  	[tilespmem:s18], [sflag:$0x3] =	stream.indirect_vreg.gather [hbm4b:s30+s4], $0x80, v20, vm0, $0xb8;
	[tilespmem:$0x18200] =	vst v63  }
0x91: {  	v20 =	vld [tilespmem:$0x190];
	_ =	sdelay $0x4  }
0x92: {  	v41 =	vshll.u32 v20, $0x3  }
0x93: {  	v20 =	vand.u32 $0x7, v20;
	v21 =	vand.u32 $0xFFFFFFC0, v41  }
0x94: {  	v20 =	vor.u32 v20, v21  }
0x95: {  	v21 =	vperm.xlane v20, v16;
	_ =	sdelay $0x1  }
0x96: {  	v21 =	vadd.s32 v17, v21;
	_ =	sdelay $0x4  }
0x97: {  	[tilespmem:s17], [sflag:$0x3] =	stream.indirect_vreg.gather [hbm4b:s1+s4], $0x80, v21, vm0, $0xb8;
	[tilespmem:$0x18200] =	vst v63  }
0x98: {  	s12 =	simm.s32 $0x14A00;
	v20 =	vperm.xlane v20, v18  }
0x99: {  	[tilespmem:s12], [sflag:$0x3] =	stream.indirect_vreg.gather [hbm4b:s28+s4], $0x80, v21, vm0, $0xb8;
	[tilespmem:$0x18200] =	vst v63  }
0x9a: {  	s5 =	simm.s32 $0x15200;
	v20 =	vadd.s32 v17, v20  }
0x9b: {  	[tilespmem:s5], [sflag:$0x3] =	stream.indirect_vreg.gather [hbm4b:s29+s4], $0x80, v21, vm0, $0xb8;
	[tilespmem:$0x18200] =	vst v63  }
0x9c: {  	s6 =	simm.s32 $0x15A00  }
0x9d: {  	[tilespmem:s6], [sflag:$0x3] =	stream.indirect_vreg.gather [hbm4b:s30+s4], $0x80, v21, vm0, $0xb8;
	[tilespmem:$0x18200] =	vst v63  }
0x9e: {  	s7 =	simm.s32 $0x16200  }
0x9f: {  	[tilespmem:s7], [sflag:$0x3] =	stream.indirect_vreg.gather [hbm4b:s1+s4], $0x80, v20, vm0, $0xb8;
	[tilespmem:$0x18200] =	vst v63  }
0xa0: {  	s9 =	simm.s32 $0x16A00  }
0xa1: {  	[tilespmem:s9], [sflag:$0x3] =	stream.indirect_vreg.gather [hbm4b:s28+s4], $0x80, v20, vm0, $0xb8;
	[tilespmem:$0x18200] =	vst v63  }
0xa2: {  	s11 =	simm.s32 $0x17200  }
0xa3: {  	vm1 =	vlt.s32 v6, v19;
	[tilespmem:s11], [sflag:$0x3] =	stream.indirect_vreg.gather [hbm4b:s29+s4], $0x80, v20, vm0, $0xb8;
	[tilespmem:$0x18200] =	vst v63  }
0xa4: {  	v42 =	vsel vm1, v6, v19;
	s16 =	simm.s32 $0x17A00  }
0xa5: {  	[tilespmem:s16], [sflag:$0x3] =	stream.indirect_vreg.gather [hbm4b:s30+s4], $0x80, v20, vm0, $0xb8;
	v20 =	vshll.u32 v42, $0x3;
	[tilespmem:$0x18200] =	vst v63  }
0xa6: {  	v43 =	vand.u32 $0x7, v42;
	_ =	swait.ge [sflag:s13], $0x8000;
	v20 =	vand.u32 $0xFFC0, v20  }
0xa7: {  	[sflag:s13] =	ssyncset.done $0x0;
	v20 =	vor.u32 v43, v20  }
0xa8: {  	s0 =	rddreg [dreg:$0x16];
	[sflag:s13] =	ssyncadd.s32 $0xFFFF8000;
	v22 =	vperm.xlane v20, v16  }
0xa9: {  	[hbm4b:s0+s4] =	stream.linear.scatter [tilespmem:s8], [sflag:$0x4], $0x8000, $0x38;
	[tilespmem:$0x18200] =	vst v63  }
0xaa: {  	_ =	swait.ge [sflag:s25], $0x8000;
	v22 =	vadd.s32 v17, v22  }
0xab: {  	vm1 =	vlt.s32 v7, v19;
	[sflag:s25] =	ssyncset.done $0x0  }
0xac: {  	v44 =	vsel vm1, v7, v19;
	v21 =	vand.u32 $0x1FFF, v42;
	[sflag:s25] =	ssyncadd.s32 $0xFFFF8000  }
0xad: {  	v45 =	vand.u32 $0x1FFF, v44;
	[tilespmem:$0x80] =	vst v21  }
0xae: {  	[tilespmem:$0x90] =	vst v45  }
0xaf: {  	[tilespmem:s8], [sflag:$0x1] =	stream.indirect_vreg.gather [hbm4b:s1+s4], $0x80, v22, vm0, $0xb8;
	[tilespmem:$0x18200] =	vst v63  }
0xb0: {  	v20 =	vperm.xlane v20, v18;
	s0 =	simm.s32 $0xA00  }
0xb1: {  	[tilespmem:s0], [sflag:$0x1] =	stream.indirect_vreg.gather [hbm4b:s28+s4], $0x80, v22, vm0, $0xb8;
	[tilespmem:$0x18200] =	vst v63  }
0xb2: {  	v20 =	vadd.s32 v17, v20;
	s0 =	simm.s32 $0x1200  }
0xb3: {  	[tilespmem:s0], [sflag:$0x1] =	stream.indirect_vreg.gather [hbm4b:s29+s4], $0x80, v22, vm0, $0xb8;
	[tilespmem:$0x18200] =	vst v63  }
0xb4: {  	s0 =	simm.s32 $0x1A00  }
0xb5: {  	[tilespmem:s0], [sflag:$0x1] =	stream.indirect_vreg.gather [hbm4b:s30+s4], $0x80, v22, vm0, $0xb8;
	[tilespmem:$0x18200] =	vst v63  }
0xb6: {  	s0 =	simm.s32 $0x2200  }
0xb7: {  	[tilespmem:s0], [sflag:$0x1] =	stream.indirect_vreg.gather [hbm4b:s1+s4], $0x80, v20, vm0, $0xb8;
	[tilespmem:$0x18200] =	vst v63  }
0xb8: {  	s0 =	simm.s32 $0x2A00  }
0xb9: {  	[tilespmem:s0], [sflag:$0x1] =	stream.indirect_vreg.gather [hbm4b:s28+s4], $0x80, v20, vm0, $0xb8;
	[tilespmem:$0x18200] =	vst v63  }
0xba: {  	s0 =	simm.s32 $0x3200  }
0xbb: {  	[tilespmem:s0], [sflag:$0x1] =	stream.indirect_vreg.gather [hbm4b:s29+s4], $0x80, v20, vm0, $0xb8;
	[tilespmem:$0x18200] =	vst v63  }
0xbc: {  	s0 =	simm.s32 $0x3A00  }
0xbd: {  	[tilespmem:s0], [sflag:$0x1] =	stream.indirect_vreg.gather [hbm4b:s30+s4], $0x80, v20, vm0, $0xb8;
	[tilespmem:$0x18200] =	vst v63  }
0xbe: {  	v20 =	vld [tilespmem:$0x90];
	_ =	sdelay $0x4  }
0xbf: {  	v46 =	vshll.u32 v20, $0x3  }
0xc0: {  	v20 =	vand.u32 $0x7, v20;
	v21 =	vand.u32 $0xFFFFFFC0, v46  }
0xc1: {  	v20 =	vor.u32 v20, v21  }
0xc2: {  	v21 =	vperm.xlane v20, v16;
	_ =	sdelay $0x1  }
0xc3: {  	v21 =	vadd.s32 v17, v21;
	_ =	sdelay $0x3  }
0xc4: {  	s0 =	simm.s32 $0x4200  }
0xc5: {  	[tilespmem:s0], [sflag:$0x1] =	stream.indirect_vreg.gather [hbm4b:s1+s4], $0x80, v21, vm0, $0xb8;
	[tilespmem:$0x18200] =	vst v63  }
0xc6: {  	v20 =	vperm.xlane v20, v18;
	s0 =	simm.s32 $0x4A00  }
0xc7: {  	[tilespmem:s0], [sflag:$0x1] =	stream.indirect_vreg.gather [hbm4b:s28+s4], $0x80, v21, vm0, $0xb8;
	[tilespmem:$0x18200] =	vst v63  }
0xc8: {  	v20 =	vadd.s32 v17, v20;
	s0 =	simm.s32 $0x5200  }
0xc9: {  	[tilespmem:s0], [sflag:$0x1] =	stream.indirect_vreg.gather [hbm4b:s29+s4], $0x80, v21, vm0, $0xb8;
	[tilespmem:$0x18200] =	vst v63  }
0xca: {  	s0 =	simm.s32 $0x5A00  }
0xcb: {  	[tilespmem:s0], [sflag:$0x1] =	stream.indirect_vreg.gather [hbm4b:s30+s4], $0x80, v21, vm0, $0xb8;
	[tilespmem:$0x18200] =	vst v63  }
0xcc: {  	s0 =	simm.s32 $0x6200  }
0xcd: {  	[tilespmem:s0], [sflag:$0x1] =	stream.indirect_vreg.gather [hbm4b:s1+s4], $0x80, v20, vm0, $0xb8;
	[tilespmem:$0x18200] =	vst v63  }
0xce: {  	s0 =	simm.s32 $0x6A00  }
0xcf: {  	[tilespmem:s0], [sflag:$0x1] =	stream.indirect_vreg.gather [hbm4b:s28+s4], $0x80, v20, vm0, $0xb8;
	[tilespmem:$0x18200] =	vst v63  }
0xd0: {  	s0 =	simm.s32 $0x7200  }
0xd1: {  	vm1 =	vlt.s32 v8, v19;
	[tilespmem:s0], [sflag:$0x1] =	stream.indirect_vreg.gather [hbm4b:s29+s4], $0x80, v20, vm0, $0xb8;
	[tilespmem:$0x18200] =	vst v63  }
0xd2: {  	v47 =	vsel vm1, v8, v19;
	s0 =	simm.s32 $0x7A00  }
0xd3: {  	[tilespmem:s0], [sflag:$0x1] =	stream.indirect_vreg.gather [hbm4b:s30+s4], $0x80, v20, vm0, $0xb8;
	v20 =	vshll.u32 v47, $0x3;
	[tilespmem:$0x18200] =	vst v63  }
0xd4: {  	v48 =	vand.u32 $0x7, v47;
	_ =	swait.ge [sflag:s15], $0x8000;
	v20 =	vand.u32 $0xFFC0, v20  }
0xd5: {  	[sflag:s15] =	ssyncset.done $0x0;
	v20 =	vor.u32 v48, v20  }
0xd6: {  	s0 =	rddreg [dreg:$0x17];
	[sflag:s15] =	ssyncadd.s32 $0xFFFF8000;
	v22 =	vperm.xlane v20, v16  }
0xd7: {  	[hbm4b:s0+s4] =	stream.linear.scatter [tilespmem:s10], [sflag:$0x5], $0x8000, $0x38;
	[tilespmem:$0x18200] =	vst v63  }
0xd8: {  	_ =	swait.ge [sflag:s26], $0x8000;
	v22 =	vadd.s32 v17, v22  }
0xd9: {  	vm1 =	vlt.s32 v9, v19;
	[sflag:s26] =	ssyncset.done $0x0  }
0xda: {  	v49 =	vsel vm1, v9, v19;
	v21 =	vand.u32 $0x1FFF, v47;
	[sflag:s26] =	ssyncadd.s32 $0xFFFF8000  }
0xdb: {  	v50 =	vand.u32 $0x1FFF, v49;
	[tilespmem:$0x100] =	vst v21  }
0xdc: {  	[tilespmem:$0x110] =	vst v50  }
0xdd: {  	[tilespmem:s10], [sflag:$0x2] =	stream.indirect_vreg.gather [hbm4b:s1+s4], $0x80, v22, vm0, $0xb8;
	[tilespmem:$0x18200] =	vst v63  }
0xde: {  	v20 =	vperm.xlane v20, v18;
	s0 =	simm.s32 $0x8A00  }
0xdf: {  	[tilespmem:s0], [sflag:$0x2] =	stream.indirect_vreg.gather [hbm4b:s28+s4], $0x80, v22, vm0, $0xb8;
	[tilespmem:$0x18200] =	vst v63  }
0xe0: {  	v20 =	vadd.s32 v17, v20;
	s0 =	simm.s32 $0x9200  }
0xe1: {  	[tilespmem:s0], [sflag:$0x2] =	stream.indirect_vreg.gather [hbm4b:s29+s4], $0x80, v22, vm0, $0xb8;
	[tilespmem:$0x18200] =	vst v63  }
0xe2: {  	s0 =	simm.s32 $0x9A00  }
0xe3: {  	[tilespmem:s0], [sflag:$0x2] =	stream.indirect_vreg.gather [hbm4b:s30+s4], $0x80, v22, vm0, $0xb8;
	[tilespmem:$0x18200] =	vst v63  }
0xe4: {  	s0 =	simm.s32 $0xA200  }
0xe5: {  	[tilespmem:s0], [sflag:$0x2] =	stream.indirect_vreg.gather [hbm4b:s1+s4], $0x80, v20, vm0, $0xb8;
	[tilespmem:$0x18200] =	vst v63  }
0xe6: {  	s0 =	simm.s32 $0xAA00  }
0xe7: {  	[tilespmem:s0], [sflag:$0x2] =	stream.indirect_vreg.gather [hbm4b:s28+s4], $0x80, v20, vm0, $0xb8;
	[tilespmem:$0x18200] =	vst v63  }
0xe8: {  	s0 =	simm.s32 $0xB200  }
0xe9: {  	[tilespmem:s0], [sflag:$0x2] =	stream.indirect_vreg.gather [hbm4b:s29+s4], $0x80, v20, vm0, $0xb8;
	[tilespmem:$0x18200] =	vst v63  }
0xea: {  	s0 =	simm.s32 $0xBA00  }
0xeb: {  	[tilespmem:s0], [sflag:$0x2] =	stream.indirect_vreg.gather [hbm4b:s30+s4], $0x80, v20, vm0, $0xb8;
	[tilespmem:$0x18200] =	vst v63  }
0xec: {  	v20 =	vld [tilespmem:$0x110];
	_ =	sdelay $0x4  }
0xed: {  	v51 =	vshll.u32 v20, $0x3  }
0xee: {  	v20 =	vand.u32 $0x7, v20;
	v21 =	vand.u32 $0xFFFFFFC0, v51  }
0xef: {  	v20 =	vor.u32 v20, v21  }
0xf0: {  	v21 =	vperm.xlane v20, v16;
	_ =	sdelay $0x1  }
0xf1: {  	v21 =	vadd.s32 v17, v21;
	_ =	sdelay $0x3  }
0xf2: {  	s0 =	simm.s32 $0xC200  }
0xf3: {  	[tilespmem:s0], [sflag:$0x2] =	stream.indirect_vreg.gather [hbm4b:s1+s4], $0x80, v21, vm0, $0xb8;
	[tilespmem:$0x18200] =	vst v63  }
0xf4: {  	v20 =	vperm.xlane v20, v18;
	s0 =	simm.s32 $0xCA00  }
0xf5: {  	[tilespmem:s0], [sflag:$0x2] =	stream.indirect_vreg.gather [hbm4b:s28+s4], $0x80, v21, vm0, $0xb8;
	[tilespmem:$0x18200] =	vst v63  }
0xf6: {  	v20 =	vadd.s32 v17, v20;
	s0 =	simm.s32 $0xD200  }
0xf7: {  	[tilespmem:s0], [sflag:$0x2] =	stream.indirect_vreg.gather [hbm4b:s29+s4], $0x80, v21, vm0, $0xb8;
	[tilespmem:$0x18200] =	vst v63  }
0xf8: {  	s0 =	simm.s32 $0xDA00  }
0xf9: {  	[tilespmem:s0], [sflag:$0x2] =	stream.indirect_vreg.gather [hbm4b:s30+s4], $0x80, v21, vm0, $0xb8;
	[tilespmem:$0x18200] =	vst v63  }
0xfa: {  	s0 =	simm.s32 $0xE200  }
0xfb: {  	[tilespmem:s0], [sflag:$0x2] =	stream.indirect_vreg.gather [hbm4b:s1+s4], $0x80, v20, vm0, $0xb8;
	[tilespmem:$0x18200] =	vst v63  }
0xfc: {  	s0 =	simm.s32 $0xEA00  }
0xfd: {  	[tilespmem:s0], [sflag:$0x2] =	stream.indirect_vreg.gather [hbm4b:s28+s4], $0x80, v20, vm0, $0xb8;
	[tilespmem:$0x18200] =	vst v63  }
0xfe: {  	s0 =	simm.s32 $0xF200  }
0xff: {  	vm1 =	vlt.s32 v10, v19;
	[tilespmem:s0], [sflag:$0x2] =	stream.indirect_vreg.gather [hbm4b:s29+s4], $0x80, v20, vm0, $0xb8;
	[tilespmem:$0x18200] =	vst v63  }
0x100: {  	v52 =	vsel vm1, v10, v19;
	s0 =	simm.s32 $0xFA00  }
0x101: {  	[tilespmem:s0], [sflag:$0x2] =	stream.indirect_vreg.gather [hbm4b:s30+s4], $0x80, v20, vm0, $0xb8;
	v20 =	vshll.u32 v52, $0x3;
	[tilespmem:$0x18200] =	vst v63  }
0x102: {  	v53 =	vand.u32 $0x7, v52;
	_ =	swait.ge [sflag:s31], $0x8000;
	v20 =	vand.u32 $0xFFC0, v20  }
0x103: {  	[sflag:s31] =	ssyncset.done $0x0;
	v20 =	vor.u32 v53, v20  }
0x104: {  	s2 =	simm.s32 $0x10200;
	s0 =	rddreg [dreg:$0xd];
	[sflag:s31] =	ssyncadd.s32 $0xFFFF8000;
	v22 =	vperm.xlane v20, v16  }
0x105: {  	[hbm4b:s0+s4] =	stream.linear.scatter [tilespmem:s2], [sflag:$0x6], $0x8000, $0x38;
	[tilespmem:$0x18200] =	vst v63  }
0x106: {  	_ =	swait.ge [sflag:s14], $0x8000;
	v22 =	vadd.s32 v17, v22  }
0x107: {  	vm1 =	vlt.s32 v11, v19;
	[sflag:s14] =	ssyncset.done $0x0  }
0x108: {  	v54 =	vsel vm1, v11, v19;
	v21 =	vand.u32 $0x1FFF, v52;
	[sflag:s14] =	ssyncadd.s32 $0xFFFF8000  }
0x109: {  	v55 =	vand.u32 $0x1FFF, v54;
	[tilespmem:$0x180] =	vst v21  }
0x10a: {  	[tilespmem:$0x190] =	vst v55  }
0x10b: {  	[tilespmem:s2], [sflag:$0x3] =	stream.indirect_vreg.gather [hbm4b:s1+s4], $0x80, v22, vm0, $0xb8;
	[tilespmem:$0x18200] =	vst v63  }
0x10c: {  	v20 =	vperm.xlane v20, v18  }
0x10d: {  	[tilespmem:s3], [sflag:$0x3] =	stream.indirect_vreg.gather [hbm4b:s28+s4], $0x80, v22, vm0, $0xb8;
	[tilespmem:$0x18200] =	vst v63  }
0x10e: {  	v20 =	vadd.s32 v17, v20  }
0x10f: {  	[tilespmem:s24], [sflag:$0x3] =	stream.indirect_vreg.gather [hbm4b:s29+s4], $0x80, v22, vm0, $0xb8;
	[tilespmem:$0x18200] =	vst v63  }
0x110: {  	_ = 	snop  }
0x111: {  	[tilespmem:s20], [sflag:$0x3] =	stream.indirect_vreg.gather [hbm4b:s30+s4], $0x80, v22, vm0, $0xb8;
	[tilespmem:$0x18200] =	vst v63  }
0x112: {  	_ = 	snop  }
0x113: {  	[tilespmem:s21], [sflag:$0x3] =	stream.indirect_vreg.gather [hbm4b:s1+s4], $0x80, v20, vm0, $0xb8;
	[tilespmem:$0x18200] =	vst v63  }
0x114: {  	_ = 	snop  }
0x115: {  	[tilespmem:s23], [sflag:$0x3] =	stream.indirect_vreg.gather [hbm4b:s28+s4], $0x80, v20, vm0, $0xb8;
	[tilespmem:$0x18200] =	vst v63  }
0x116: {  	_ = 	snop  }
0x117: {  	[tilespmem:s19], [sflag:$0x3] =	stream.indirect_vreg.gather [hbm4b:s29+s4], $0x80, v20, vm0, $0xb8;
	[tilespmem:$0x18200] =	vst v63  }
0x118: {  	_ = 	snop  }
0x119: {  	[tilespmem:s18], [sflag:$0x3] =	stream.indirect_vreg.gather [hbm4b:s30+s4], $0x80, v20, vm0, $0xb8;
	[tilespmem:$0x18200] =	vst v63  }
0x11a: {  	v20 =	vld [tilespmem:$0x190];
	_ =	sdelay $0x4  }
0x11b: {  	v56 =	vshll.u32 v20, $0x3  }
0x11c: {  	v20 =	vand.u32 $0x7, v20;
	v21 =	vand.u32 $0xFFFFFFC0, v56  }
0x11d: {  	v20 =	vor.u32 v20, v21  }
0x11e: {  	v21 =	vperm.xlane v20, v16;
	_ =	sdelay $0x1  }
0x11f: {  	v21 =	vadd.s32 v17, v21;
	_ =	sdelay $0x4  }
0x120: {  	[tilespmem:s17], [sflag:$0x3] =	stream.indirect_vreg.gather [hbm4b:s1+s4], $0x80, v21, vm0, $0xb8;
	[tilespmem:$0x18200] =	vst v63  }
0x121: {  	v20 =	vperm.xlane v20, v18  }
0x122: {  	[tilespmem:s12], [sflag:$0x3] =	stream.indirect_vreg.gather [hbm4b:s28+s4], $0x80, v21, vm0, $0xb8;
	[tilespmem:$0x18200] =	vst v63  }
0x123: {  	v20 =	vadd.s32 v17, v20  }
0x124: {  	[tilespmem:s5], [sflag:$0x3] =	stream.indirect_vreg.gather [hbm4b:s29+s4], $0x80, v21, vm0, $0xb8;
	[tilespmem:$0x18200] =	vst v63  }
0x125: {  	_ = 	snop  }
0x126: {  	[tilespmem:s6], [sflag:$0x3] =	stream.indirect_vreg.gather [hbm4b:s30+s4], $0x80, v21, vm0, $0xb8;
	[tilespmem:$0x18200] =	vst v63  }
0x127: {  	_ = 	snop  }
0x128: {  	[tilespmem:s7], [sflag:$0x3] =	stream.indirect_vreg.gather [hbm4b:s1+s4], $0x80, v20, vm0, $0xb8;
	[tilespmem:$0x18200] =	vst v63  }
0x129: {  	_ = 	snop  }
0x12a: {  	[tilespmem:s9], [sflag:$0x3] =	stream.indirect_vreg.gather [hbm4b:s28+s4], $0x80, v20, vm0, $0xb8;
	[tilespmem:$0x18200] =	vst v63  }
0x12b: {  	_ = 	snop  }
0x12c: {  	vm1 =	vlt.s32 v12, v19;
	[tilespmem:s11], [sflag:$0x3] =	stream.indirect_vreg.gather [hbm4b:s29+s4], $0x80, v20, vm0, $0xb8;
	[tilespmem:$0x18200] =	vst v63  }
0x12d: {  	v57 =	vsel vm1, v12, v19  }
0x12e: {  	[tilespmem:s16], [sflag:$0x3] =	stream.indirect_vreg.gather [hbm4b:s30+s4], $0x80, v20, vm0, $0xb8;
	v20 =	vshll.u32 v57, $0x3;
	[tilespmem:$0x18200] =	vst v63  }
0x12f: {  	v58 =	vand.u32 $0x7, v57;
	_ =	swait.ge [sflag:s13], $0x8000;
	v20 =	vand.u32 $0xFFC0, v20  }
0x130: {  	[sflag:s13] =	ssyncset.done $0x0;
	v20 =	vor.u32 v58, v20  }
0x131: {  	s11 =	rddreg [dreg:$0xe];
	[sflag:s13] =	ssyncadd.s32 $0xFFFF8000;
	v22 =	vperm.xlane v20, v16  }
0x132: {  	[hbm4b:s11+s4] =	stream.linear.scatter [tilespmem:s8], [sflag:$0x4], $0x8000, $0x38;
	[tilespmem:$0x18200] =	vst v63  }
0x133: {  	_ =	swait.ge [sflag:s25], $0x8000;
	v22 =	vadd.s32 v17, v22  }
0x134: {  	vm1 =	vlt.s32 v13, v19;
	[sflag:s25] =	ssyncset.done $0x0  }
0x135: {  	v59 =	vsel vm1, v13, v19;
	v21 =	vand.u32 $0x1FFF, v57;
	[sflag:s25] =	ssyncadd.s32 $0xFFFF8000  }
0x136: {  	v60 =	vand.u32 $0x1FFF, v59;
	[tilespmem:$0x80] =	vst v21  }
0x137: {  	[tilespmem:$0x90] =	vst v60  }
0x138: {  	[tilespmem:s8], [sflag:$0x1] =	stream.indirect_vreg.gather [hbm4b:s1+s4], $0x80, v22, vm0, $0xb8;
	[tilespmem:$0x18200] =	vst v63  }
0x139: {  	s16 =	simm.s32 $0xA00;
	v20 =	vperm.xlane v20, v18  }
0x13a: {  	[tilespmem:s16], [sflag:$0x1] =	stream.indirect_vreg.gather [hbm4b:s28+s4], $0x80, v22, vm0, $0xb8;
	[tilespmem:$0x18200] =	vst v63  }
0x13b: {  	s2 =	simm.s32 $0x1200;
	v20 =	vadd.s32 v17, v20  }
0x13c: {  	[tilespmem:s2], [sflag:$0x1] =	stream.indirect_vreg.gather [hbm4b:s29+s4], $0x80, v22, vm0, $0xb8;
	[tilespmem:$0x18200] =	vst v63  }
0x13d: {  	s3 =	simm.s32 $0x1A00  }
0x13e: {  	[tilespmem:s3], [sflag:$0x1] =	stream.indirect_vreg.gather [hbm4b:s30+s4], $0x80, v22, vm0, $0xb8;
	[tilespmem:$0x18200] =	vst v63  }
0x13f: {  	s5 =	simm.s32 $0x2200  }
0x140: {  	[tilespmem:s5], [sflag:$0x1] =	stream.indirect_vreg.gather [hbm4b:s1+s4], $0x80, v20, vm0, $0xb8;
	[tilespmem:$0x18200] =	vst v63  }
0x141: {  	s6 =	simm.s32 $0x2A00  }
0x142: {  	[tilespmem:s6], [sflag:$0x1] =	stream.indirect_vreg.gather [hbm4b:s28+s4], $0x80, v20, vm0, $0xb8;
	[tilespmem:$0x18200] =	vst v63  }
0x143: {  	s7 =	simm.s32 $0x3200  }
0x144: {  	[tilespmem:s7], [sflag:$0x1] =	stream.indirect_vreg.gather [hbm4b:s29+s4], $0x80, v20, vm0, $0xb8;
	[tilespmem:$0x18200] =	vst v63  }
0x145: {  	s9 =	simm.s32 $0x3A00  }
0x146: {  	[tilespmem:s9], [sflag:$0x1] =	stream.indirect_vreg.gather [hbm4b:s30+s4], $0x80, v20, vm0, $0xb8;
	[tilespmem:$0x18200] =	vst v63  }
0x147: {  	v20 =	vld [tilespmem:$0x90];
	_ =	sdelay $0x4  }
0x148: {  	v61 =	vshll.u32 v20, $0x3  }
0x149: {  	v20 =	vand.u32 $0x7, v20;
	v21 =	vand.u32 $0xFFFFFFC0, v61  }
0x14a: {  	v20 =	vor.u32 v20, v21  }
0x14b: {  	v21 =	vperm.xlane v20, v16;
	_ =	sdelay $0x1  }
0x14c: {  	v21 =	vadd.s32 v17, v21;
	_ =	sdelay $0x3  }
0x14d: {  	s11 =	simm.s32 $0x4200  }
0x14e: {  	[tilespmem:s11], [sflag:$0x1] =	stream.indirect_vreg.gather [hbm4b:s1+s4], $0x80, v21, vm0, $0xb8;
	[tilespmem:$0x18200] =	vst v63  }
0x14f: {  	s16 =	simm.s32 $0x4A00;
	v20 =	vperm.xlane v20, v18  }
0x150: {  	[tilespmem:s16], [sflag:$0x1] =	stream.indirect_vreg.gather [hbm4b:s28+s4], $0x80, v21, vm0, $0xb8;
	[tilespmem:$0x18200] =	vst v63  }
0x151: {  	s2 =	simm.s32 $0x5200;
	v20 =	vadd.s32 v17, v20  }
0x152: {  	[tilespmem:s2], [sflag:$0x1] =	stream.indirect_vreg.gather [hbm4b:s29+s4], $0x80, v21, vm0, $0xb8;
	[tilespmem:$0x18200] =	vst v63  }
0x153: {  	s16 =	simm.s32 $0x5A00  }
0x154: {  	[tilespmem:s16], [sflag:$0x1] =	stream.indirect_vreg.gather [hbm4b:s30+s4], $0x80, v21, vm0, $0xb8;
	[tilespmem:$0x18200] =	vst v63  }
0x155: {  	s3 =	rddreg [dreg:$0x2];
	s2 =	simm.s32 $0x6200  }
0x156: {  	[tilespmem:s2], [sflag:$0x1] =	stream.indirect_vreg.gather [hbm4b:s1+s4], $0x80, v20, vm0, $0xb8;
	[tilespmem:$0x18200] =	vst v63  }
0x157: {  	s5 =	rddreg [dreg:$0x18];
	s16 =	simm.s32 $0x6A00  }
0x158: {  	[tilespmem:s16], [sflag:$0x1] =	stream.indirect_vreg.gather [hbm4b:s28+s4], $0x80, v20, vm0, $0xb8;
	[tilespmem:$0x18200] =	vst v63  }
0x159: {  	s6 =	rddreg [dreg:$0x1a];
	s2 =	simm.s32 $0x7200  }
0x15a: {  	vm1 =	vlt.s32 v14, v19;
	[tilespmem:s2], [sflag:$0x1] =	stream.indirect_vreg.gather [hbm4b:s29+s4], $0x80, v20, vm0, $0xb8;
	[tilespmem:$0x18200] =	vst v63  }
0x15b: {  	v62 =	vsel vm1, v14, v19;
	s7 =	rddreg [dreg:$0x19];
	s16 =	simm.s32 $0x7A00  }
0x15c: {  	[tilespmem:s16], [sflag:$0x1] =	stream.indirect_vreg.gather [hbm4b:s30+s4], $0x80, v20, vm0, $0xb8;
	v20 =	vshll.u32 v62, $0x3;
	[tilespmem:$0x18200] =	vst v63  }
0x15d: {  	v63 =	vand.u32 $0x7, v62;
	s9 =	rddreg [dreg:$0x1b];
	_ =	swait.ge [sflag:s15], $0x8000;
	v20 =	vand.u32 $0xFFC0, v20  }
0x15e: {  	[sflag:s15] =	ssyncset.done $0x0;
	v20 =	vor.u32 v63, v20  }
0x15f: {  	s2 =	rddreg [dreg:$0xf];
	[sflag:s15] =	ssyncadd.s32 $0xFFFF8000;
	v22 =	vperm.xlane v20, v16  }
0x160: {  	[hbm4b:s2+s4] =	stream.linear.scatter [tilespmem:s10], [sflag:$0x5], $0x8000, $0x38;
	[tilespmem:$0x18200] =	vst v63  }
0x161: {  	_ =	swait.ge [sflag:s26], $0x8000;
	v22 =	vadd.s32 v17, v22  }
0x162: {  	vm1 =	vlt.s32 v15, v19;
	[sflag:s26] =	ssyncset.done $0x0  }
0x163: {  	v19 =	vsel vm1, v15, v19;
	v21 =	vand.u32 $0x1FFF, v62;
	[sflag:s26] =	ssyncadd.s32 $0xFFFF8000  }
0x164: {  	v19 =	vand.u32 $0x1FFF, v19;
	[tilespmem:$0x100] =	vst v21  }
0x165: {  	[tilespmem:$0x110] =	vst v19  }
0x166: {  	[tilespmem:s10], [sflag:$0x2] =	stream.indirect_vreg.gather [hbm4b:s1+s4], $0x80, v22, vm0, $0xb8;
	[tilespmem:$0x18200] =	vst v63  }
0x167: {  	s16 =	simm.s32 $0x8A00;
	v19 =	vperm.xlane v20, v18  }
0x168: {  	[tilespmem:s16], [sflag:$0x2] =	stream.indirect_vreg.gather [hbm4b:s28+s4], $0x80, v22, vm0, $0xb8;
	[tilespmem:$0x18200] =	vst v63  }
0x169: {  	s2 =	simm.s32 $0x9200;
	v19 =	vadd.s32 v17, v19  }
0x16a: {  	[tilespmem:s2], [sflag:$0x2] =	stream.indirect_vreg.gather [hbm4b:s29+s4], $0x80, v22, vm0, $0xb8;
	[tilespmem:$0x18200] =	vst v63  }
0x16b: {  	s16 =	simm.s32 $0x9A00  }
0x16c: {  	[tilespmem:s16], [sflag:$0x2] =	stream.indirect_vreg.gather [hbm4b:s30+s4], $0x80, v22, vm0, $0xb8;
	[tilespmem:$0x18200] =	vst v63  }
0x16d: {  	s2 =	simm.s32 $0xA200  }
0x16e: {  	[tilespmem:s2], [sflag:$0x2] =	stream.indirect_vreg.gather [hbm4b:s1+s4], $0x80, v19, vm0, $0xb8;
	[tilespmem:$0x18200] =	vst v63  }
0x16f: {  	s16 =	simm.s32 $0xAA00  }
0x170: {  	[tilespmem:s16], [sflag:$0x2] =	stream.indirect_vreg.gather [hbm4b:s28+s4], $0x80, v19, vm0, $0xb8;
	[tilespmem:$0x18200] =	vst v63  }
0x171: {  	s2 =	simm.s32 $0xB200  }
0x172: {  	[tilespmem:s2], [sflag:$0x2] =	stream.indirect_vreg.gather [hbm4b:s29+s4], $0x80, v19, vm0, $0xb8;
	[tilespmem:$0x18200] =	vst v63  }
0x173: {  	s16 =	simm.s32 $0xBA00  }
0x174: {  	[tilespmem:s16], [sflag:$0x2] =	stream.indirect_vreg.gather [hbm4b:s30+s4], $0x80, v19, vm0, $0xb8;
	[tilespmem:$0x18200] =	vst v63  }
0x175: {  	v19 =	vld [tilespmem:$0x110];
	_ =	sdelay $0x4  }
0x176: {  	v20 =	vshll.u32 v19, $0x3  }
0x177: {  	v19 =	vand.u32 $0x7, v19;
	v20 =	vand.u32 $0xFFFFFFC0, v20  }
0x178: {  	v19 =	vor.u32 v19, v20  }
0x179: {  	v20 =	vperm.xlane v19, v16;
	_ =	sdelay $0x1  }
0x17a: {  	v20 =	vadd.s32 v17, v20;
	_ =	sdelay $0x3  }
0x17b: {  	s2 =	simm.s32 $0xC200  }
0x17c: {  	[tilespmem:s2], [sflag:$0x2] =	stream.indirect_vreg.gather [hbm4b:s1+s4], $0x80, v20, vm0, $0xb8;
	[tilespmem:$0x18200] =	vst v63  }
0x17d: {  	s16 =	simm.s32 $0xCA00;
	v19 =	vperm.xlane v19, v18  }
0x17e: {  	[tilespmem:s16], [sflag:$0x2] =	stream.indirect_vreg.gather [hbm4b:s28+s4], $0x80, v20, vm0, $0xb8;
	[tilespmem:$0x18200] =	vst v63  }
0x17f: {  	v19 =	vadd.s32 v17, v19;
	s2 =	simm.s32 $0xD200  }
0x180: {  	[tilespmem:s2], [sflag:$0x2] =	stream.indirect_vreg.gather [hbm4b:s29+s4], $0x80, v20, vm0, $0xb8;
	[tilespmem:$0x18200] =	vst v63  }
0x181: {  	s16 =	simm.s32 $0xDA00  }
0x182: {  	[tilespmem:s16], [sflag:$0x2] =	stream.indirect_vreg.gather [hbm4b:s30+s4], $0x80, v20, vm0, $0xb8;
	[tilespmem:$0x18200] =	vst v63  }
0x183: {  	s2 =	simm.s32 $0xE200  }
0x184: {  	[tilespmem:s2], [sflag:$0x2] =	stream.indirect_vreg.gather [hbm4b:s1+s4], $0x80, v19, vm0, $0xb8;
	[tilespmem:$0x18200] =	vst v63  }
0x185: {  	s16 =	simm.s32 $0xEA00  }
0x186: {  	[tilespmem:s16], [sflag:$0x2] =	stream.indirect_vreg.gather [hbm4b:s28+s4], $0x80, v19, vm0, $0xb8;
	[tilespmem:$0x18200] =	vst v63  }
0x187: {  	s0 =	rddreg [dreg:$0x15];
	s2 =	simm.s32 $0xF200  }
0x188: {  	[tilespmem:s2], [sflag:$0x2] =	stream.indirect_vreg.gather [hbm4b:s29+s4], $0x80, v19, vm0, $0xb8;
	[tilespmem:$0x18200] =	vst v63  }
0x189: {  	s16 =	simm.s32 $0xFA00;
	s2 =	rddreg [dreg:$0x14]  }
0x18a: {  	[tilespmem:s16], [sflag:$0x2] =	stream.indirect_vreg.gather [hbm4b:s30+s4], $0x80, v19, vm0, $0xb8;
	[tilespmem:$0x18200] =	vst v63  }
0x18b: {  	s12 =	simm.s32 $0x10200;
	s11 =	simm.s32 $0x7;
	s16 =	rddreg [dreg:$0x13]  }
.LBB2_4:
0x18c: {  	_ =	swait.ge [sflag:s31], $0x8000  }
0x18d: {  	[sflag:s31] =	ssyncset.done $0x0  }
0x18e: {  	s16 =	sadd.s32 s3, s16;
	[sflag:s31] =	ssyncadd.s32 $0xFFFF8000  }
0x18f: {  	[hbm4b:s16+s4] =	stream.linear.scatter [tilespmem:s12], [sflag:$0x6], $0x8000, $0x38;
	[tilespmem:$0x18200] =	vst v63  }
0x190: {  	_ =	swait.ge [sflag:s13], $0x8000  }
0x191: {  	[sflag:s13] =	ssyncset.done $0x0  }
0x192: {  	s2 =	sadd.s32 s3, s2;
	[sflag:s13] =	ssyncadd.s32 $0xFFFF8000  }
0x193: {  	[hbm4b:s2+s4] =	stream.linear.scatter [tilespmem:s8], [sflag:$0x4], $0x8000, $0x38;
	[tilespmem:$0x18200] =	vst v63  }
0x194: {  	_ =	swait.ge [sflag:s15], $0x8000  }
0x195: {  	[sflag:s15] =	ssyncset.done $0x0  }
0x196: {  	s0 =	sadd.s32 s3, s0;
	[sflag:s15] =	ssyncadd.s32 $0xFFFF8000  }
0x197: {  	[hbm4b:s0+s4] =	stream.linear.scatter [tilespmem:s10], [sflag:$0x5], $0x8000, $0x38;
	[tilespmem:$0x18200] =	vst v63  }
0x198: {  	_ =	swait.ge [sflag:s25], $0x8000  }
0x199: {  	[sflag:s25] =	ssyncset.done $0x0  }
0x19a: {  	s22 =	sadd.s32 $0xFFFFFFFF, s22;
	[sflag:s25] =	ssyncadd.s32 $0xFFFF8000  }
0x19b: {  	p0 =	sne.s32 s22, $0x0;
	_ =	swait.ge [sflag:s26], $0x8000  }
.Ltmp1:
0x19c: {  	[sflag:s26] =	ssyncset.done $0x0;
	(pc) =	sbr.rel @!p0 .LBB2_5-.Ltmp1, $4  }
0x19d: {  	[sflag:s26] =	ssyncadd.s32 $0xFFFF8000  }
0x19e: {  	_ =	swait.ge [sflag:s14], $0x8000  }
0x19f: {  	[sflag:s14] =	ssyncset.done $0x0  }
0x1a0: {  	[sflag:s14] =	ssyncadd.s32 $0xFFFF8000  }
.LBB2_1:
0x1a1: {  	[tilespmem:s8], [sflag:$0x1] =	stream.linear.gather [hbm4b:s6+s4], $0x8000, $0x38;
	[tilespmem:$0x18200] =	vst v63  }
0x1a2: {  	_ = 	snop  }
0x1a3: {  	[tilespmem:s10], [sflag:$0x2] =	stream.linear.gather [hbm4b:s7+s4], $0x8000, $0x38;
	[tilespmem:$0x18200] =	vst v63  }
0x1a4: {  	_ = 	snop  }
0x1a5: {  	[tilespmem:s4], [sflag:$0x7] =	stream.linear.gather [hbm4b:s5+s4], $0x80, $0x38;
	[tilespmem:$0x18200] =	vst v63  }
0x1a6: {  	_ =	swait.ge [sflag:s11], $0x80  }
0x1a7: {  	[sflag:s11] =	ssyncset.done $0x0  }
0x1a8: {  	[sflag:s11] =	ssyncadd.s32 $0xFFFFFF80  }
0x1a9: {  	v19 =	vld [tilespmem:$0x0];
	_ =	sdelay $0x4  }
0x1aa: {  	(v2sf) =	vpush v19, $0x0;
	_ =	sdelay $0xe  }
0x1ab: {  	s0 =	spop (v2sf)  }
0x1ac: {  	p0 =	sgt.s32 s9, s0  }
.Ltmp2:
0x1ad: {  	_ = 	snop;
	(pc) =	sbr.rel @p0 .LBB2_3-.Ltmp2, $1  }
0x1ae: {  	_ =	sdelay $0x3  }
0x1af: {  	s0 =	rddreg [dreg:$0x4]  }
0x1b0: {  	[tilespmem:s12], [sflag:$0x3] =	stream.linear.gather [hbm4b:s0+s4], $0x8000, $0x38;
	[tilespmem:$0x18200] =	vst v63  }
0x1b1: {  	_ =	swait.ge [sflag:s13], $0x8000  }
0x1b2: {  	[sflag:s13] =	ssyncset.done $0x0  }
0x1b3: {  	s2 =	rddreg [dreg:$0x16];
	[sflag:s13] =	ssyncadd.s32 $0xFFFF8000  }
0x1b4: {  	[hbm4b:s2+s4] =	stream.linear.scatter [tilespmem:s8], [sflag:$0x4], $0x8000, $0x38;
	[tilespmem:$0x18200] =	vst v63  }
0x1b5: {  	_ =	swait.ge [sflag:s25], $0x8000  }
0x1b6: {  	[sflag:s25] =	ssyncset.done $0x0  }
0x1b7: {  	s16 =	rddreg [dreg:$0x5];
	[sflag:s25] =	ssyncadd.s32 $0xFFFF8000  }
0x1b8: {  	[tilespmem:s8], [sflag:$0x1] =	stream.linear.gather [hbm4b:s16+s4], $0x8000, $0x38;
	[tilespmem:$0x18200] =	vst v63  }
0x1b9: {  	_ =	swait.ge [sflag:s15], $0x8000  }
0x1ba: {  	[sflag:s15] =	ssyncset.done $0x0  }
0x1bb: {  	s2 =	rddreg [dreg:$0x17];
	[sflag:s15] =	ssyncadd.s32 $0xFFFF8000  }
0x1bc: {  	[hbm4b:s2+s4] =	stream.linear.scatter [tilespmem:s10], [sflag:$0x5], $0x8000, $0x38;
	[tilespmem:$0x18200] =	vst v63  }
0x1bd: {  	_ =	swait.ge [sflag:s26], $0x8000  }
0x1be: {  	[sflag:s26] =	ssyncset.done $0x0  }
0x1bf: {  	s16 =	rddreg [dreg:$0x6];
	[sflag:s26] =	ssyncadd.s32 $0xFFFF8000  }
0x1c0: {  	[tilespmem:s10], [sflag:$0x2] =	stream.linear.gather [hbm4b:s16+s4], $0x8000, $0x38;
	[tilespmem:$0x18200] =	vst v63  }
0x1c1: {  	_ =	swait.ge [sflag:s31], $0x8000  }
0x1c2: {  	[sflag:s31] =	ssyncset.done $0x0  }
0x1c3: {  	s2 =	rddreg [dreg:$0x7];
	[sflag:s31] =	ssyncadd.s32 $0xFFFF8000  }
0x1c4: {  	[hbm4b:s2+s4] =	stream.linear.scatter [tilespmem:s12], [sflag:$0x6], $0x8000, $0x38;
	[tilespmem:$0x18200] =	vst v63  }
0x1c5: {  	_ =	swait.ge [sflag:s14], $0x8000  }
0x1c6: {  	[sflag:s14] =	ssyncset.done $0x0  }
0x1c7: {  	s16 =	rddreg [dreg:$0x10];
	[sflag:s14] =	ssyncadd.s32 $0xFFFF8000  }
0x1c8: {  	[tilespmem:s12], [sflag:$0x3] =	stream.linear.gather [hbm4b:s16+s4], $0x8000, $0x38;
	[tilespmem:$0x18200] =	vst v63  }
0x1c9: {  	_ =	swait.ge [sflag:s13], $0x8000  }
0x1ca: {  	[sflag:s13] =	ssyncset.done $0x0  }
0x1cb: {  	s2 =	rddreg [dreg:$0x9];
	[sflag:s13] =	ssyncadd.s32 $0xFFFF8000  }
0x1cc: {  	[hbm4b:s2+s4] =	stream.linear.scatter [tilespmem:s8], [sflag:$0x4], $0x8000, $0x38;
	[tilespmem:$0x18200] =	vst v63  }
0x1cd: {  	_ =	swait.ge [sflag:s25], $0x8000  }
0x1ce: {  	[sflag:s25] =	ssyncset.done $0x0  }
0x1cf: {  	s16 =	rddreg [dreg:$0x11];
	[sflag:s25] =	ssyncadd.s32 $0xFFFF8000  }
0x1d0: {  	[tilespmem:s8], [sflag:$0x1] =	stream.linear.gather [hbm4b:s16+s4], $0x8000, $0x38;
	[tilespmem:$0x18200] =	vst v63  }
0x1d1: {  	_ =	swait.ge [sflag:s15], $0x8000  }
0x1d2: {  	[sflag:s15] =	ssyncset.done $0x0  }
0x1d3: {  	s2 =	rddreg [dreg:$0xb];
	[sflag:s15] =	ssyncadd.s32 $0xFFFF8000  }
0x1d4: {  	[hbm4b:s2+s4] =	stream.linear.scatter [tilespmem:s10], [sflag:$0x5], $0x8000, $0x38;
	[tilespmem:$0x18200] =	vst v63  }
0x1d5: {  	_ =	swait.ge [sflag:s26], $0x8000  }
.Ltmp3:
0x1d6: {  	s16 =	rddreg [dreg:$0x12];
	(pc) =	sbr.rel .LBB2_4-.Ltmp3, $4  }
0x1d7: {  	[sflag:s26] =	ssyncset.done $0x0;
	s2 =	rddreg [dreg:$0xa]  }
0x1d8: {  	s0 =	rddreg [dreg:$0xc];
	[sflag:s26] =	ssyncadd.s32 $0xFFFF8000  }
0x1d9: {  	[tilespmem:s10], [sflag:$0x2] =	stream.linear.gather [hbm4b:s16+s4], $0x8000, $0x38;
	[tilespmem:$0x18200] =	vst v63  }
0x1da: {  	s16 =	rddreg [dreg:$0x8]  }
.LBB2_5:
0x1db: {  	_ =	sfence.sel $0x180000  }
0x1dc: {  	[bflag:$0x0] =	sbarrier.arrive $0xFFFF  }
0x1dd: {  	_ =	strace $0x90000047  }
0x1de: {  	s0 =	stileid.u32;
	[bflag:$0x2] =	sbarrier.arrive $0xFFFF  }
0x1df: {  	p0 =	sne.s32 s0, $0x0;
	s0 =	rddreg [dreg:$0x3]  }
0x1e0: {  	s0 =	sadd.s32 @!p0 $0x100000, s0  }
0x1e1: {  	[sflag:s0] =	ssyncadd.tile.s32 @!p0 $0x1;
	_ =	shalt  }
.Lfunc_end2:
_tile_overlayer_lowered:
.L_overlay_start_2:
0x1e2: {  	(tag) =	ssettag $0x2  }
0x1e3: {  	s0 =	rddreg [dreg:$0x0];
	s2 =	stileid.u32  }
0x1e4: {  	s1 =	rddreg [dreg:$0x1];
	p0 =	sne.s32 s2, $0x0  }
0x1e5: {  	s3 =	rddreg [dreg:$0x2];
	[bflag:$0x3] =	sbarrier.arrive $0xFFFF;
	s2 =	simm.s32 @!p0 $0x1C07  }
0x1e6: {  	[timem:s3], [sflag:s2] =	dma.local @!p0 [hbm:s0], s1  }
0x1e7: {  	s0 =	simm.s32 @!p0 $0x7  }
0x1e8: {  	_ =	swait.ge @!p0 [sflag:s0], s1  }
0x1e9: {  	s1 =	ssub.s32 @!p0 $0x0, s1;
	[sflag:s0] =	ssyncset.done @!p0 $0x0  }
0x1ea: {  	[sflag:s0] =	ssyncadd.s32 @!p0 s1  }
0x1eb: {  	[bflag:$0x3] =	sbarrier.arrive $0xFFFF  }
0x1ec: {  	_ =	shalt  }

</sc_bundles>
